<compile_context>
chip_gen: v7x
topology: tpu7x:2x2x1
jax: 0.10.2.dev20260603
libtpu: 0.0.44.dev20260713+nightly
codegen_flags: <defaults>
</compile_context>

<pallas_src>
import functools
import jax
import jax.numpy as jnp
from jax import lax
from jax.experimental import pallas as pl
from jax.experimental.pallas import tpu as pltpu
from jax.experimental.pallas import tpu_sc as plsc

B = 1024
L = 200
DIM = 64
NTOK = B * L
NW = 32
TOK_PER_W = NTOK // NW
CH = 128
NCH = TOK_PER_W // CH

_scratch_types = [
    pltpu.VMEM((B + 16,), jnp.int32),
    pltpu.VMEM((CH,), jnp.int32),
    pltpu.VMEM((CH,), jnp.int32),
    pltpu.VMEM((CH,), jnp.int32),
    pltpu.VMEM((CH,), jnp.int32),
    pltpu.VMEM((CH, DIM), jnp.float32),
    pltpu.VMEM((CH, DIM), jnp.float32),
    pltpu.VMEM((CH, DIM), jnp.float32),
    pltpu.SemaphoreType.DMA,
    pltpu.SemaphoreType.DMA,
]


def _emb_body(ids_hbm, voc_hbm, len_hbm, llm_hbm, cod_hbm, out_hbm,
              len_v, ids_v, voc_v, lidx_v, cidx_v,
              lrows_v, crows_v, obuf_v, sem1, sem2):
    wid = lax.axis_index("s") * 2 + lax.axis_index("c")
    pltpu.sync_copy(len_hbm, len_v.at[pl.ds(0, B)])

    def chunk_body(c, carry):
        base = wid * TOK_PER_W + c * CH
        pltpu.sync_copy(ids_hbm.at[pl.ds(base, CH)], ids_v)
        pltpu.sync_copy(voc_hbm.at[pl.ds(base, CH)], voc_v)
        b_lo = lax.div(base, jnp.int32(L))
        b_hi = lax.div(base + (CH - 1), jnp.int32(L))
        l0 = base - b_lo * jnp.int32(L)
        e = jnp.minimum(jnp.int32(L) - l0, CH)
        n_lo = len_v[pl.ds(b_lo, 16)][0]
        n_hi = len_v[pl.ds(b_hi, 16)][0]
        s1 = n_lo - l0
        s2 = e + n_hi

        def build(i, carry2):
            sl = pl.ds(i * 16, 16)
            t16 = i * 16 + lax.iota(jnp.int32, 16)
            valid = jnp.where(t16 < e, t16 < s1, t16 < s2)
            ids16 = ids_v[sl]
            v16 = voc_v[sl]
            zero = jnp.zeros((16,), jnp.int32)
            lidx_v[sl] = jnp.where(valid & (v16 == 0), ids16, zero)
            cidx_v[sl] = jnp.where(valid & (v16 == 1), ids16, zero)
            return carry2

        lax.fori_loop(0, CH // 16, build, 0)

        cp1 = pltpu.async_copy(llm_hbm.at[lidx_v], lrows_v, sem1)
        cp2 = pltpu.async_copy(cod_hbm.at[cidx_v], crows_v, sem2)
        cp1.wait()
        cp2.wait()

        def comb(t, carry3):
            for d in range(DIM // 16):
                sl = pl.ds(d * 16, 16)
                obuf_v[t, sl] = lrows_v[t, sl] + crows_v[t, sl]
            return carry3

        lax.fori_loop(0, CH, comb, 0)

        zero16 = jnp.zeros((16,), jnp.float32)

        def zfill(t, carry4):
            for d in range(DIM // 16):
                obuf_v[t, pl.ds(d * 16, 16)] = zero16
            return carry4

        lax.fori_loop(jnp.clip(s1, 0, e), e, zfill, 0)
        lax.fori_loop(jnp.clip(s2, e, CH), CH, zfill, 0)

        pltpu.sync_copy(obuf_v, out_hbm.at[pl.ds(base, CH)])
        return carry

    lax.fori_loop(0, NCH, chunk_body, 0)


@functools.cache
def _build_kernel():
    mesh = plsc.VectorSubcoreMesh(
        core_axis_name="c", subcore_axis_name="s", num_cores=2, num_subcores=16
    )
    return pl.kernel(
        _emb_body,
        out_type=jax.ShapeDtypeStruct((NTOK, DIM), jnp.float32),
        mesh=mesh,
        scratch_types=_scratch_types,
        compiler_params=pltpu.CompilerParams(use_tc_tiling_on_sc=False),
    )


def kernel(input_ids, vocab_ids, length, llm_table, cod_table):
    ids = input_ids.reshape(-1).astype(jnp.int32)
    voc = vocab_ids.reshape(-1).astype(jnp.int32)
    ln = length.astype(jnp.int32)
    out = _build_kernel()(ids, voc, ln, llm_table, cod_table)
    emb = out.reshape(B, L, DIM)
    attention_mask = jnp.arange(L)[None, :] < length[:, None]
    return (emb, attention_mask)

# --- scband reference (transcript-rebuilt; emitter-appended) ---
"""Pipeline reference for scband-base-embedding-layer-16475494548082 (READ-ONLY COPY).

The authoritative reference and input builder live on the scoring server;
editing this copy changes nothing except your own understanding.
"""

import jax, jax.numpy as jnp
import numpy as np

B = 1024
L = 200
VOCAB = 100000
DIM = 64
TV_LLM = 0
TV_COD = 1


def setup_inputs(seed: int = 0) -> dict:
    key = jax.random.key(seed)
    k1, k2, k3, k4, k5 = jax.random.split(key, 5)
    input_ids = jax.random.randint(k1, (B, L), 0, VOCAB, dtype=jnp.int64 if jax.config.jax_enable_x64 else jnp.int32)
    vocab_ids = jax.random.randint(k2, (B, L), 0, 2, dtype=jnp.int64 if jax.config.jax_enable_x64 else jnp.int32)
    length = jax.random.randint(k3, (B,), 0, L, dtype=jnp.int64 if jax.config.jax_enable_x64 else jnp.int32)
    llm_table = jax.random.normal(k4, (VOCAB, DIM), dtype=jnp.float32) * 0.02
    cod_table = jax.random.normal(k5, (VOCAB, DIM), dtype=jnp.float32) * 0.02
    return {"input_ids": input_ids, "vocab_ids": vocab_ids, "length": length,
            "llm_table": llm_table, "cod_table": cod_table}


def reference(input_ids, vocab_ids, length, llm_table, cod_table):
    max_len = input_ids.shape[-1]
    pos = jnp.arange(max_len)[None, :]
    attention_mask = pos < length[:, None]                      # bool [B, L]
    llm_mask = (vocab_ids == TV_LLM) & attention_mask
    cod_mask = (vocab_ids == TV_COD) & attention_mask
    llm_input = input_ids * llm_mask.astype(input_ids.dtype)    # zeros out masked ids
    cod_input = input_ids * cod_mask.astype(input_ids.dtype)
    llm_embeddings = jnp.take(llm_table, llm_input, axis=0)     # [B, L, D]
    cod_embeddings = jnp.take(cod_table, cod_input, axis=0)     # [B, L, D]
    input_embeddings = (llm_embeddings + cod_embeddings) * attention_mask[..., None].astype(jnp.float32)
    return (input_embeddings, attention_mask)

if __name__ == "__main__":
    import jax
    _d = setup_inputs()
    print(jax.jit(kernel)(*tuple(_d.values())))

</pallas_src>

<mosaic_0001>
#map = affine_map<(d0, d1) -> (0)>
#map1 = affine_map<(d0, d1) -> (0, 0)>
module attributes {stable_mosaic.version = 14 : i64} {
  func.func @_emb_body(%arg0: i32, %arg1: i32, %arg2: memref<204800xi32, #tpu.memory_space<hbm>>, %arg3: memref<204800xi32, #tpu.memory_space<hbm>>, %arg4: memref<1024xi32, #tpu.memory_space<hbm>>, %arg5: memref<100000x64xf32, #tpu.memory_space<hbm>>, %arg6: memref<100000x64xf32, #tpu.memory_space<hbm>>, %arg7: memref<204800x64xf32, #tpu.memory_space<hbm>>, %arg8: memref<1040xi32, #tpu.memory_space<vmem>>, %arg9: memref<128xi32, #tpu.memory_space<vmem>>, %arg10: memref<128xi32, #tpu.memory_space<vmem>>, %arg11: memref<128xi32, #tpu.memory_space<vmem>>, %arg12: memref<128xi32, #tpu.memory_space<vmem>>, %arg13: memref<128x64xf32, #tpu.memory_space<vmem>>, %arg14: memref<128x64xf32, #tpu.memory_space<vmem>>, %arg15: memref<128x64xf32, #tpu.memory_space<vmem>>, %arg16: memref<!tpu.dma_semaphore, #tpu.memory_space<semaphore_mem>>, %arg17: memref<!tpu.dma_semaphore, #tpu.memory_space<semaphore_mem>>) attributes {dimension_semantics = [#tpu.dimension_semantics<core_parallel>, #tpu.dimension_semantics<subcore_parallel>], iteration_bounds = array<i64: 2, 16>, scalar_prefetch = 0 : i64, scratch_operands = 10 : i64, tpu.core_type = #tpu.core_type<sc_vector_subcore>, window_params = [{transform_indices = #map}, {transform_indices = #map}, {transform_indices = #map}, {transform_indices = #map1}, {transform_indices = #map1}, {transform_indices = #map1}]} {
    %mul3A = arith.constant 2 : i32
    %mul3A_0 = arith.muli %arg1, %mul3A : i32
    %add3A = arith.addi %mul3A_0, %arg0 : i32
    "tpu.region"() ({
      %run_scoped3A = tpu.sem_alloc : memref<!tpu.dma_semaphore, #tpu.memory_space<semaphore_mem>>
      %dma_start3A = arith.constant 0 : i32
      %dma_start3A_6 = tpu.memref_slice %arg8[%dma_start3A] : memref<1040xi32, #tpu.memory_space<vmem>> -> memref<1024xi32, #tpu.memory_space<vmem>>
      %dma_start3A_7 = arith.constant 0 : i32
      %dma_start3A_8 = tpu.memref_slice %arg8[%dma_start3A_7] : memref<1040xi32, #tpu.memory_space<vmem>> -> memref<1024xi32, #tpu.memory_space<vmem>>
      tpu.enqueue_dma source(%arg4 : memref<1024xi32, #tpu.memory_space<hbm>>) target(%dma_start3A_8 : memref<1024xi32, #tpu.memory_space<vmem>>) target_semaphore(%run_scoped3A : memref<!tpu.dma_semaphore, #tpu.memory_space<semaphore_mem>>)
      %dma_wait3A = arith.constant 0 : i32
      %dma_wait3A_9 = tpu.memref_slice %arg8[%dma_wait3A] : memref<1040xi32, #tpu.memory_space<vmem>> -> memref<1024xi32, #tpu.memory_space<vmem>>
      %dma_wait3A_10 = arith.constant 0 : i32
      %dma_wait3A_11 = tpu.memref_slice %arg8[%dma_wait3A_10] : memref<1040xi32, #tpu.memory_space<vmem>> -> memref<1024xi32, #tpu.memory_space<vmem>>
      tpu.wait_dma2 semaphore(%run_scoped3A : memref<!tpu.dma_semaphore, #tpu.memory_space<semaphore_mem>>) src(%arg4 : memref<1024xi32, #tpu.memory_space<hbm>>) dst(%dma_wait3A_11 : memref<1024xi32, #tpu.memory_space<vmem>>)
      tpu.yield
    }) : () -> ()
    %scan3A = arith.constant 0 : i32
    %scan3A_1 = arith.constant 0 : i32
    %scan3A_2 = arith.constant 50 : i32
    %scan3A_3 = arith.addi %scan3A_1, %scan3A_2 : i32
    %scan3A_4 = arith.constant 1 : i32
    scf.for %scan3A_6 = %scan3A_1 to %scan3A_3 step %scan3A_4  : i32 {
      %mul3A_7 = arith.constant 6400 : i32
      %mul3A_8 = arith.muli %add3A, %mul3A_7 : i32
      %mul3A_9 = arith.constant 128 : i32
      %mul3A_10 = arith.muli %scan3A_6, %mul3A_9 : i32
      %add3A_11 = arith.addi %mul3A_8, %mul3A_10 : i32
      "tpu.region"() ({
        %run_scoped3A = tpu.sem_alloc : memref<!tpu.dma_semaphore, #tpu.memory_space<semaphore_mem>>
        %dma_start3A_76 = tpu.memref_slice %arg2[%add3A_11] : memref<204800xi32, #tpu.memory_space<hbm>> -> memref<128xi32, #tpu.memory_space<hbm>>
        %dma_start3A_77 = tpu.memref_slice %arg2[%add3A_11] : memref<204800xi32, #tpu.memory_space<hbm>> -> memref<128xi32, #tpu.memory_space<hbm>>
        tpu.enqueue_dma source(%dma_start3A_77 : memref<128xi32, #tpu.memory_space<hbm>>) target(%arg9 : memref<128xi32, #tpu.memory_space<vmem>>) target_semaphore(%run_scoped3A : memref<!tpu.dma_semaphore, #tpu.memory_space<semaphore_mem>>)
        %dma_wait3A_78 = tpu.memref_slice %arg2[%add3A_11] : memref<204800xi32, #tpu.memory_space<hbm>> -> memref<128xi32, #tpu.memory_space<hbm>>
        %dma_wait3A_79 = tpu.memref_slice %arg2[%add3A_11] : memref<204800xi32, #tpu.memory_space<hbm>> -> memref<128xi32, #tpu.memory_space<hbm>>
        tpu.wait_dma2 semaphore(%run_scoped3A : memref<!tpu.dma_semaphore, #tpu.memory_space<semaphore_mem>>) src(%dma_wait3A_79 : memref<128xi32, #tpu.memory_space<hbm>>) dst(%arg9 : memref<128xi32, #tpu.memory_space<vmem>>)
        tpu.yield
      }) : () -> ()
      "tpu.region"() ({
        %run_scoped3A = tpu.sem_alloc : memref<!tpu.dma_semaphore, #tpu.memory_space<semaphore_mem>>
        %dma_start3A_76 = tpu.memref_slice %arg3[%add3A_11] : memref<204800xi32, #tpu.memory_space<hbm>> -> memref<128xi32, #tpu.memory_space<hbm>>
        %dma_start3A_77 = tpu.memref_slice %arg3[%add3A_11] : memref<204800xi32, #tpu.memory_space<hbm>> -> memref<128xi32, #tpu.memory_space<hbm>>
        tpu.enqueue_dma source(%dma_start3A_77 : memref<128xi32, #tpu.memory_space<hbm>>) target(%arg10 : memref<128xi32, #tpu.memory_space<vmem>>) target_semaphore(%run_scoped3A : memref<!tpu.dma_semaphore, #tpu.memory_space<semaphore_mem>>)
        %dma_wait3A_78 = tpu.memref_slice %arg3[%add3A_11] : memref<204800xi32, #tpu.memory_space<hbm>> -> memref<128xi32, #tpu.memory_space<hbm>>
        %dma_wait3A_79 = tpu.memref_slice %arg3[%add3A_11] : memref<204800xi32, #tpu.memory_space<hbm>> -> memref<128xi32, #tpu.memory_space<hbm>>
        tpu.wait_dma2 semaphore(%run_scoped3A : memref<!tpu.dma_semaphore, #tpu.memory_space<semaphore_mem>>) src(%dma_wait3A_79 : memref<128xi32, #tpu.memory_space<hbm>>) dst(%arg10 : memref<128xi32, #tpu.memory_space<vmem>>)
        tpu.yield
      }) : () -> ()
      %div3A = arith.constant 200 : i32
      %div3A_12 = arith.divsi %add3A_11, %div3A : i32
      %add3A_13 = arith.constant 127 : i32
      %add3A_14 = arith.addi %add3A_11, %add3A_13 : i32
      %div3A_15 = arith.constant 200 : i32
      %div3A_16 = arith.divsi %add3A_14, %div3A_15 : i32
      %mul3A_17 = arith.constant 200 : i32
      %mul3A_18 = arith.muli %div3A_12, %mul3A_17 : i32
      %sub3A = arith.subi %add3A_11, %mul3A_18 : i32
      %sub3A_19 = arith.constant 200 : i32
      %sub3A_20 = arith.subi %sub3A_19, %sub3A : i32
      %min3A = arith.constant 128 : i32
      %min3A_21 = arith.minsi %sub3A_20, %min3A : i32
      %get3A = arith.index_cast %div3A_12 : i32 to index
      %get3A_22 = tpu.vector_load %arg8[%get3A] {strides = array<i32>} : memref<1040xi32, #tpu.memory_space<vmem>>, vector<16xi32>,
      %get3A_23 = vector.shape_cast %get3A_22 : vector<16xi32> to vector<16xi32>
      %slice3A = vector.extract_strided_slice %get3A_23 {offsets = [0], sizes = [1], strides = [1]} : vector<16xi32> to vector<1xi32>
      %squeeze3A = vector.extract %slice3A[0] : i32 from vector<1xi32>
      %get3A_24 = arith.index_cast %div3A_16 : i32 to index
      %get3A_25 = tpu.vector_load %arg8[%get3A_24] {strides = array<i32>} : memref<1040xi32, #tpu.memory_space<vmem>>, vector<16xi32>,
      %get3A_26 = vector.shape_cast %get3A_25 : vector<16xi32> to vector<16xi32>
      %slice3A_27 = vector.extract_strided_slice %get3A_26 {offsets = [0], sizes = [1], strides = [1]} : vector<16xi32> to vector<1xi32>
      %squeeze3A_28 = vector.extract %slice3A_27[0] : i32 from vector<1xi32>
      %sub3A_29 = arith.subi %squeeze3A, %sub3A : i32
      %add3A_30 = arith.addi %min3A_21, %squeeze3A_28 : i32
      %scan3A_31 = arith.constant 0 : i32
      %scan3A_32 = arith.constant 0 : i32
      %scan3A_33 = arith.constant 8 : i32
      %scan3A_34 = arith.addi %scan3A_32, %scan3A_33 : i32
      %scan3A_35 = arith.constant 1 : i32
      scf.for %scan3A_76 = %scan3A_32 to %scan3A_34 step %scan3A_35  : i32 {
        %mul3A_77 = arith.constant 16 : i32
        %mul3A_78 = arith.muli %scan3A_76, %mul3A_77 : i32
        %mul3A_79 = arith.constant 16 : i32
        %mul3A_80 = arith.muli %scan3A_76, %mul3A_79 : i32
        %iota3A = tpu.iota {dimensions = array<i32: 0>} : vector<16xi32>
        %add3A_81 = vector.broadcast %mul3A_80 : i32 to vector<16xi32>
        %add3A_82 = arith.addi %add3A_81, %iota3A : vector<16xi32>
        %lt3A = vector.broadcast %min3A_21 : i32 to vector<16xi32>
        %lt3A_83 = arith.cmpi slt, %add3A_82, %lt3A : vector<16xi32>
        %lt3A_84 = vector.broadcast %sub3A_29 : i32 to vector<16xi32>
        %lt3A_85 = arith.cmpi slt, %add3A_82, %lt3A_84 : vector<16xi32>
        %lt3A_86 = vector.broadcast %add3A_30 : i32 to vector<16xi32>
        %lt3A_87 = arith.cmpi slt, %add3A_82, %lt3A_86 : vector<16xi32>
        %select_n3A = arith.select %lt3A_83, %lt3A_85, %lt3A_87 : vector<16xi1>, vector<16xi1>
        %get3A_88 = arith.index_cast %mul3A_78 : i32 to index
        %get3A_89 = tpu.vector_load %arg9[%get3A_88] {strides = array<i32>} : memref<128xi32, #tpu.memory_space<vmem>>, vector<16xi32>,
        %get3A_90 = vector.shape_cast %get3A_89 : vector<16xi32> to vector<16xi32>
        %get3A_91 = arith.index_cast %mul3A_78 : i32 to index
        %get3A_92 = tpu.vector_load %arg10[%get3A_91] {strides = array<i32>} : memref<128xi32, #tpu.memory_space<vmem>>, vector<16xi32>,
        %get3A_93 = vector.shape_cast %get3A_92 : vector<16xi32> to vector<16xi32>
        %broadcast_in_dim3A_94 = arith.constant 0 : i32
        %broadcast_in_dim3A_95 = vector.broadcast %broadcast_in_dim3A_94 : i32 to vector<16xi32>
        %eq3A = arith.constant 0 : i32
        %eq3A_96 = vector.broadcast %eq3A : i32 to vector<16xi32>
        %eq3A_97 = arith.cmpi eq, %get3A_93, %eq3A_96 : vector<16xi32>
        %and3A = arith.andi %select_n3A, %eq3A_97 : vector<16xi1>
        %select_n3A_98 = arith.select %and3A, %get3A_90, %broadcast_in_dim3A_95 : vector<16xi1>, vector<16xi32>
        %swap3A = arith.index_cast %mul3A_78 : i32 to index
        %swap3A_99 = tpu.vector_load %arg11[%swap3A] {strides = array<i32>} : memref<128xi32, #tpu.memory_space<vmem>>, vector<16xi32>,
        %swap3A_100 = vector.shape_cast %swap3A_99 : vector<16xi32> to vector<16xi32>
        %swap3A_101 = vector.shape_cast %select_n3A_98 : vector<16xi32> to vector<16xi32>
        tpu.vector_store %arg11[%swap3A], %swap3A_101 {strides = array<i32>} : memref<128xi32, #tpu.memory_space<vmem>>, vector<16xi32>,
        %eq3A_102 = arith.constant 1 : i32
        %eq3A_103 = vector.broadcast %eq3A_102 : i32 to vector<16xi32>
        %eq3A_104 = arith.cmpi eq, %get3A_93, %eq3A_103 : vector<16xi32>
        %and3A_105 = arith.andi %select_n3A, %eq3A_104 : vector<16xi1>
        %select_n3A_106 = arith.select %and3A_105, %get3A_90, %broadcast_in_dim3A_95 : vector<16xi1>, vector<16xi32>
        %swap3A_107 = arith.index_cast %mul3A_78 : i32 to index
        %swap3A_108 = tpu.vector_load %arg12[%swap3A_107] {strides = array<i32>} : memref<128xi32, #tpu.memory_space<vmem>>, vector<16xi32>,
        %swap3A_109 = vector.shape_cast %swap3A_108 : vector<16xi32> to vector<16xi32>
        %swap3A_110 = vector.shape_cast %select_n3A_106 : vector<16xi32> to vector<16xi32>
        tpu.vector_store %arg12[%swap3A_107], %swap3A_110 {strides = array<i32>} : memref<128xi32, #tpu.memory_space<vmem>>, vector<16xi32>,
      }
      %scan3A_36 = arith.constant 8 : i32
      %dma_start3A = arith.constant 0 : i32
      %dma_start3A_37 = arith.constant 0 : i32
      %dma_start3A_38 = tpu.memref_slice %arg5[%dma_start3A, %dma_start3A_37] : memref<100000x64xf32, #tpu.memory_space<hbm>> -> memref<100000x64xf32, #tpu.memory_space<hbm>>
      tpu.enqueue_indirect_dma source(%dma_start3A_38 : memref<100000x64xf32, #tpu.memory_space<hbm>>) target(%arg13 : memref<128x64xf32, #tpu.memory_space<vmem>>) offsets(%arg11 : memref<128xi32, #tpu.memory_space<vmem>>) semaphore(%arg16 : memref<!tpu.dma_semaphore, #tpu.memory_space<semaphore_mem>>)
      %dma_start3A_39 = arith.constant 0 : i32
      %dma_start3A_40 = arith.constant 0 : i32
      %dma_start3A_41 = tpu.memref_slice %arg6[%dma_start3A_39, %dma_start3A_40] : memref<100000x64xf32, #tpu.memory_space<hbm>> -> memref<100000x64xf32, #tpu.memory_space<hbm>>
      tpu.enqueue_indirect_dma source(%dma_start3A_41 : memref<100000x64xf32, #tpu.memory_space<hbm>>) target(%arg14 : memref<128x64xf32, #tpu.memory_space<vmem>>) offsets(%arg12 : memref<128xi32, #tpu.memory_space<vmem>>) semaphore(%arg17 : memref<!tpu.dma_semaphore, #tpu.memory_space<semaphore_mem>>)
      %dma_wait3A = arith.constant 0 : i32
      %dma_wait3A_42 = arith.constant 0 : i32
      %dma_wait3A_43 = tpu.memref_slice %arg5[%dma_wait3A, %dma_wait3A_42] : memref<100000x64xf32, #tpu.memory_space<hbm>> -> memref<100000x64xf32, #tpu.memory_space<hbm>>
      tpu.wait_indirect_dma semaphore(%arg16 : memref<!tpu.dma_semaphore, #tpu.memory_space<semaphore_mem>>) src(%dma_wait3A_43 : memref<100000x64xf32, #tpu.memory_space<hbm>>) dst(%arg13 : memref<128x64xf32, #tpu.memory_space<vmem>>)
      %dma_wait3A_44 = arith.constant 0 : i32
      %dma_wait3A_45 = arith.constant 0 : i32
      %dma_wait3A_46 = tpu.memref_slice %arg6[%dma_wait3A_44, %dma_wait3A_45] : memref<100000x64xf32, #tpu.memory_space<hbm>> -> memref<100000x64xf32, #tpu.memory_space<hbm>>
      tpu.wait_indirect_dma semaphore(%arg17 : memref<!tpu.dma_semaphore, #tpu.memory_space<semaphore_mem>>) src(%dma_wait3A_46 : memref<100000x64xf32, #tpu.memory_space<hbm>>) dst(%arg14 : memref<128x64xf32, #tpu.memory_space<vmem>>)
      %scan3A_47 = arith.constant 0 : i32
      %scan3A_48 = arith.constant 0 : i32
      %scan3A_49 = arith.constant 128 : i32
      %scan3A_50 = arith.addi %scan3A_48, %scan3A_49 : i32
      %scan3A_51 = arith.constant 1 : i32
      scf.for %scan3A_76 = %scan3A_48 to %scan3A_50 step %scan3A_51  : i32 {
        %get3A_77 = arith.index_cast %scan3A_76 : i32 to index
        %get3A_78 = arith.constant 0 : index
        %get3A_79 = tpu.vector_load %arg13[%get3A_77, %get3A_78] {strides = array<i32>} : memref<128x64xf32, #tpu.memory_space<vmem>>, vector<1x16xf32>,
        %get3A_80 = vector.shape_cast %get3A_79 : vector<1x16xf32> to vector<16xf32>
        %get3A_81 = arith.index_cast %scan3A_76 : i32 to index
        %get3A_82 = arith.constant 0 : index
        %get3A_83 = tpu.vector_load %arg14[%get3A_81, %get3A_82] {strides = array<i32>} : memref<128x64xf32, #tpu.memory_space<vmem>>, vector<1x16xf32>,
        %get3A_84 = vector.shape_cast %get3A_83 : vector<1x16xf32> to vector<16xf32>
        %add3A_85 = arith.addf %get3A_80, %get3A_84 : vector<16xf32>
        %swap3A = arith.index_cast %scan3A_76 : i32 to index
        %swap3A_86 = arith.constant 0 : index
        %swap3A_87 = tpu.vector_load %arg15[%swap3A, %swap3A_86] {strides = array<i32>} : memref<128x64xf32, #tpu.memory_space<vmem>>, vector<1x16xf32>,
        %swap3A_88 = vector.shape_cast %swap3A_87 : vector<1x16xf32> to vector<16xf32>
        %swap3A_89 = vector.shape_cast %add3A_85 : vector<16xf32> to vector<1x16xf32>
        tpu.vector_store %arg15[%swap3A, %swap3A_86], %swap3A_89 {strides = array<i32>} : memref<128x64xf32, #tpu.memory_space<vmem>>, vector<1x16xf32>,
        %get3A_90 = arith.index_cast %scan3A_76 : i32 to index
        %get3A_91 = arith.constant 16 : index
        %get3A_92 = tpu.vector_load %arg13[%get3A_90, %get3A_91] {strides = array<i32>} : memref<128x64xf32, #tpu.memory_space<vmem>>, vector<1x16xf32>,
        %get3A_93 = vector.shape_cast %get3A_92 : vector<1x16xf32> to vector<16xf32>
        %get3A_94 = arith.index_cast %scan3A_76 : i32 to index
        %get3A_95 = arith.constant 16 : index
        %get3A_96 = tpu.vector_load %arg14[%get3A_94, %get3A_95] {strides = array<i32>} : memref<128x64xf32, #tpu.memory_space<vmem>>, vector<1x16xf32>,
        %get3A_97 = vector.shape_cast %get3A_96 : vector<1x16xf32> to vector<16xf32>
        %add3A_98 = arith.addf %get3A_93, %get3A_97 : vector<16xf32>
        %swap3A_99 = arith.index_cast %scan3A_76 : i32 to index
        %swap3A_100 = arith.constant 16 : index
        %swap3A_101 = tpu.vector_load %arg15[%swap3A_99, %swap3A_100] {strides = array<i32>} : memref<128x64xf32, #tpu.memory_space<vmem>>, vector<1x16xf32>,
        %swap3A_102 = vector.shape_cast %swap3A_101 : vector<1x16xf32> to vector<16xf32>
        %swap3A_103 = vector.shape_cast %add3A_98 : vector<16xf32> to vector<1x16xf32>
        tpu.vector_store %arg15[%swap3A_99, %swap3A_100], %swap3A_103 {strides = array<i32>} : memref<128x64xf32, #tpu.memory_space<vmem>>, vector<1x16xf32>,
        %get3A_104 = arith.index_cast %scan3A_76 : i32 to index
        %get3A_105 = arith.constant 32 : index
        %get3A_106 = tpu.vector_load %arg13[%get3A_104, %get3A_105] {strides = array<i32>} : memref<128x64xf32, #tpu.memory_space<vmem>>, vector<1x16xf32>,
        %get3A_107 = vector.shape_cast %get3A_106 : vector<1x16xf32> to vector<16xf32>
        %get3A_108 = arith.index_cast %scan3A_76 : i32 to index
        %get3A_109 = arith.constant 32 : index
        %get3A_110 = tpu.vector_load %arg14[%get3A_108, %get3A_109] {strides = array<i32>} : memref<128x64xf32, #tpu.memory_space<vmem>>, vector<1x16xf32>,
        %get3A_111 = vector.shape_cast %get3A_110 : vector<1x16xf32> to vector<16xf32>
        %add3A_112 = arith.addf %get3A_107, %get3A_111 : vector<16xf32>
        %swap3A_113 = arith.index_cast %scan3A_76 : i32 to index
        %swap3A_114 = arith.constant 32 : index
        %swap3A_115 = tpu.vector_load %arg15[%swap3A_113, %swap3A_114] {strides = array<i32>} : memref<128x64xf32, #tpu.memory_space<vmem>>, vector<1x16xf32>,
        %swap3A_116 = vector.shape_cast %swap3A_115 : vector<1x16xf32> to vector<16xf32>
        %swap3A_117 = vector.shape_cast %add3A_112 : vector<16xf32> to vector<1x16xf32>
        tpu.vector_store %arg15[%swap3A_113, %swap3A_114], %swap3A_117 {strides = array<i32>} : memref<128x64xf32, #tpu.memory_space<vmem>>, vector<1x16xf32>,
        %get3A_118 = arith.index_cast %scan3A_76 : i32 to index
        %get3A_119 = arith.constant 48 : index
        %get3A_120 = tpu.vector_load %arg13[%get3A_118, %get3A_119] {strides = array<i32>} : memref<128x64xf32, #tpu.memory_space<vmem>>, vector<1x16xf32>,
        %get3A_121 = vector.shape_cast %get3A_120 : vector<1x16xf32> to vector<16xf32>
        %get3A_122 = arith.index_cast %scan3A_76 : i32 to index
        %get3A_123 = arith.constant 48 : index
        %get3A_124 = tpu.vector_load %arg14[%get3A_122, %get3A_123] {strides = array<i32>} : memref<128x64xf32, #tpu.memory_space<vmem>>, vector<1x16xf32>,
        %get3A_125 = vector.shape_cast %get3A_124 : vector<1x16xf32> to vector<16xf32>
        %add3A_126 = arith.addf %get3A_121, %get3A_125 : vector<16xf32>
        %swap3A_127 = arith.index_cast %scan3A_76 : i32 to index
        %swap3A_128 = arith.constant 48 : index
        %swap3A_129 = tpu.vector_load %arg15[%swap3A_127, %swap3A_128] {strides = array<i32>} : memref<128x64xf32, #tpu.memory_space<vmem>>, vector<1x16xf32>,
        %swap3A_130 = vector.shape_cast %swap3A_129 : vector<1x16xf32> to vector<16xf32>
        %swap3A_131 = vector.shape_cast %add3A_126 : vector<16xf32> to vector<1x16xf32>
        tpu.vector_store %arg15[%swap3A_127, %swap3A_128], %swap3A_131 {strides = array<i32>} : memref<128x64xf32, #tpu.memory_space<vmem>>, vector<1x16xf32>,
      }
      %scan3A_52 = arith.constant 128 : i32
      %broadcast_in_dim3A = arith.constant 0.000000e+00 : f32
      %broadcast_in_dim3A_53 = vector.broadcast %broadcast_in_dim3A : f32 to vector<16xf32>
      %jit3A = arith.constant 0 : i32
      %max3A = arith.maxsi %jit3A, %sub3A_29 : i32
      %min3A_54 = arith.minsi %min3A_21, %max3A : i32
      %while3A = arith.constant 0 : i32
      %while3A_55 = arith.subi %min3A_21, %min3A_54 : i32
      %while3A_56 = arith.addi %min3A_54, %while3A_55 : i32
      %while3A_57 = arith.constant 1 : i32
      %while3A_58 = arith.divsi %while3A_55, %while3A_57 : i32
      %while3A_59 = arith.muli %while3A_58, %while3A_57 : i32
      %while3A_60 = arith.addi %min3A_54, %while3A_59 : i32
      %while3A_61 = arith.constant 1 : i32
      scf.for %while3A_76 = %min3A_54 to %while3A_60 step %while3A_61  : i32 {
        %swap3A = arith.index_cast %while3A_76 : i32 to index
        %swap3A_77 = arith.constant 0 : index
        %swap3A_78 = tpu.vector_load %arg15[%swap3A, %swap3A_77] {strides = array<i32>} : memref<128x64xf32, #tpu.memory_space<vmem>>, vector<1x16xf32>,
        %swap3A_79 = vector.shape_cast %swap3A_78 : vector<1x16xf32> to vector<16xf32>
        %swap3A_80 = vector.shape_cast %broadcast_in_dim3A_53 : vector<16xf32> to vector<1x16xf32>
        tpu.vector_store %arg15[%swap3A, %swap3A_77], %swap3A_80 {strides = array<i32>} : memref<128x64xf32, #tpu.memory_space<vmem>>, vector<1x16xf32>,
        %swap3A_81 = arith.index_cast %while3A_76 : i32 to index
        %swap3A_82 = arith.constant 16 : index
        %swap3A_83 = tpu.vector_load %arg15[%swap3A_81, %swap3A_82] {strides = array<i32>} : memref<128x64xf32, #tpu.memory_space<vmem>>, vector<1x16xf32>,
        %swap3A_84 = vector.shape_cast %swap3A_83 : vector<1x16xf32> to vector<16xf32>
        %swap3A_85 = vector.shape_cast %broadcast_in_dim3A_53 : vector<16xf32> to vector<1x16xf32>
        tpu.vector_store %arg15[%swap3A_81, %swap3A_82], %swap3A_85 {strides = array<i32>} : memref<128x64xf32, #tpu.memory_space<vmem>>, vector<1x16xf32>,
        %swap3A_86 = arith.index_cast %while3A_76 : i32 to index
        %swap3A_87 = arith.constant 32 : index
        %swap3A_88 = tpu.vector_load %arg15[%swap3A_86, %swap3A_87] {strides = array<i32>} : memref<128x64xf32, #tpu.memory_space<vmem>>, vector<1x16xf32>,
        %swap3A_89 = vector.shape_cast %swap3A_88 : vector<1x16xf32> to vector<16xf32>
        %swap3A_90 = vector.shape_cast %broadcast_in_dim3A_53 : vector<16xf32> to vector<1x16xf32>
        tpu.vector_store %arg15[%swap3A_86, %swap3A_87], %swap3A_90 {strides = array<i32>} : memref<128x64xf32, #tpu.memory_space<vmem>>, vector<1x16xf32>,
        %swap3A_91 = arith.index_cast %while3A_76 : i32 to index
        %swap3A_92 = arith.constant 48 : index
        %swap3A_93 = tpu.vector_load %arg15[%swap3A_91, %swap3A_92] {strides = array<i32>} : memref<128x64xf32, #tpu.memory_space<vmem>>, vector<1x16xf32>,
        %swap3A_94 = vector.shape_cast %swap3A_93 : vector<1x16xf32> to vector<16xf32>
        %swap3A_95 = vector.shape_cast %broadcast_in_dim3A_53 : vector<16xf32> to vector<1x16xf32>
        tpu.vector_store %arg15[%swap3A_91, %swap3A_92], %swap3A_95 {strides = array<i32>} : memref<128x64xf32, #tpu.memory_space<vmem>>, vector<1x16xf32>,
      }
      %while3A_62 = arith.constant 1 : i32
      scf.for %while3A_76 = %while3A_60 to %while3A_56 step %while3A_62  : i32 {
        %swap3A = arith.index_cast %while3A_76 : i32 to index
        %swap3A_77 = arith.constant 0 : index
        %swap3A_78 = tpu.vector_load %arg15[%swap3A, %swap3A_77] {strides = array<i32>} : memref<128x64xf32, #tpu.memory_space<vmem>>, vector<1x16xf32>,
        %swap3A_79 = vector.shape_cast %swap3A_78 : vector<1x16xf32> to vector<16xf32>
        %swap3A_80 = vector.shape_cast %broadcast_in_dim3A_53 : vector<16xf32> to vector<1x16xf32>
        tpu.vector_store %arg15[%swap3A, %swap3A_77], %swap3A_80 {strides = array<i32>} : memref<128x64xf32, #tpu.memory_space<vmem>>, vector<1x16xf32>,
        %swap3A_81 = arith.index_cast %while3A_76 : i32 to index
        %swap3A_82 = arith.constant 16 : index
        %swap3A_83 = tpu.vector_load %arg15[%swap3A_81, %swap3A_82] {strides = array<i32>} : memref<128x64xf32, #tpu.memory_space<vmem>>, vector<1x16xf32>,
        %swap3A_84 = vector.shape_cast %swap3A_83 : vector<1x16xf32> to vector<16xf32>
        %swap3A_85 = vector.shape_cast %broadcast_in_dim3A_53 : vector<16xf32> to vector<1x16xf32>
        tpu.vector_store %arg15[%swap3A_81, %swap3A_82], %swap3A_85 {strides = array<i32>} : memref<128x64xf32, #tpu.memory_space<vmem>>, vector<1x16xf32>,
        %swap3A_86 = arith.index_cast %while3A_76 : i32 to index
        %swap3A_87 = arith.constant 32 : index
        %swap3A_88 = tpu.vector_load %arg15[%swap3A_86, %swap3A_87] {strides = array<i32>} : memref<128x64xf32, #tpu.memory_space<vmem>>, vector<1x16xf32>,
        %swap3A_89 = vector.shape_cast %swap3A_88 : vector<1x16xf32> to vector<16xf32>
        %swap3A_90 = vector.shape_cast %broadcast_in_dim3A_53 : vector<16xf32> to vector<1x16xf32>
        tpu.vector_store %arg15[%swap3A_86, %swap3A_87], %swap3A_90 {strides = array<i32>} : memref<128x64xf32, #tpu.memory_space<vmem>>, vector<1x16xf32>,
        %swap3A_91 = arith.index_cast %while3A_76 : i32 to index
        %swap3A_92 = arith.constant 48 : index
        %swap3A_93 = tpu.vector_load %arg15[%swap3A_91, %swap3A_92] {strides = array<i32>} : memref<128x64xf32, #tpu.memory_space<vmem>>, vector<1x16xf32>,
        %swap3A_94 = vector.shape_cast %swap3A_93 : vector<1x16xf32> to vector<16xf32>
        %swap3A_95 = vector.shape_cast %broadcast_in_dim3A_53 : vector<16xf32> to vector<1x16xf32>
        tpu.vector_store %arg15[%swap3A_91, %swap3A_92], %swap3A_95 {strides = array<i32>} : memref<128x64xf32, #tpu.memory_space<vmem>>, vector<1x16xf32>,
      }
      %jit3A_63 = arith.constant 128 : i32
      %max3A_64 = arith.maxsi %min3A_21, %add3A_30 : i32
      %min3A_65 = arith.minsi %jit3A_63, %max3A_64 : i32
      %while3A_66 = arith.constant 0 : i32
      %while3A_67 = arith.constant 128 : i32
      %while3A_68 = arith.subi %while3A_67, %min3A_65 : i32
      %while3A_69 = arith.addi %min3A_65, %while3A_68 : i32
      %while3A_70 = arith.constant 1 : i32
      %while3A_71 = arith.divsi %while3A_68, %while3A_70 : i32
      %while3A_72 = arith.muli %while3A_71, %while3A_70 : i32
      %while3A_73 = arith.addi %min3A_65, %while3A_72 : i32
      %while3A_74 = arith.constant 1 : i32
      scf.for %while3A_76 = %min3A_65 to %while3A_73 step %while3A_74  : i32 {
        %swap3A = arith.index_cast %while3A_76 : i32 to index
        %swap3A_77 = arith.constant 0 : index
        %swap3A_78 = tpu.vector_load %arg15[%swap3A, %swap3A_77] {strides = array<i32>} : memref<128x64xf32, #tpu.memory_space<vmem>>, vector<1x16xf32>,
        %swap3A_79 = vector.shape_cast %swap3A_78 : vector<1x16xf32> to vector<16xf32>
        %swap3A_80 = vector.shape_cast %broadcast_in_dim3A_53 : vector<16xf32> to vector<1x16xf32>
        tpu.vector_store %arg15[%swap3A, %swap3A_77], %swap3A_80 {strides = array<i32>} : memref<128x64xf32, #tpu.memory_space<vmem>>, vector<1x16xf32>,
        %swap3A_81 = arith.index_cast %while3A_76 : i32 to index
        %swap3A_82 = arith.constant 16 : index
        %swap3A_83 = tpu.vector_load %arg15[%swap3A_81, %swap3A_82] {strides = array<i32>} : memref<128x64xf32, #tpu.memory_space<vmem>>, vector<1x16xf32>,
        %swap3A_84 = vector.shape_cast %swap3A_83 : vector<1x16xf32> to vector<16xf32>
        %swap3A_85 = vector.shape_cast %broadcast_in_dim3A_53 : vector<16xf32> to vector<1x16xf32>
        tpu.vector_store %arg15[%swap3A_81, %swap3A_82], %swap3A_85 {strides = array<i32>} : memref<128x64xf32, #tpu.memory_space<vmem>>, vector<1x16xf32>,
        %swap3A_86 = arith.index_cast %while3A_76 : i32 to index
        %swap3A_87 = arith.constant 32 : index
        %swap3A_88 = tpu.vector_load %arg15[%swap3A_86, %swap3A_87] {strides = array<i32>} : memref<128x64xf32, #tpu.memory_space<vmem>>, vector<1x16xf32>,
        %swap3A_89 = vector.shape_cast %swap3A_88 : vector<1x16xf32> to vector<16xf32>
        %swap3A_90 = vector.shape_cast %broadcast_in_dim3A_53 : vector<16xf32> to vector<1x16xf32>
        tpu.vector_store %arg15[%swap3A_86, %swap3A_87], %swap3A_90 {strides = array<i32>} : memref<128x64xf32, #tpu.memory_space<vmem>>, vector<1x16xf32>,
        %swap3A_91 = arith.index_cast %while3A_76 : i32 to index
        %swap3A_92 = arith.constant 48 : index
        %swap3A_93 = tpu.vector_load %arg15[%swap3A_91, %swap3A_92] {strides = array<i32>} : memref<128x64xf32, #tpu.memory_space<vmem>>, vector<1x16xf32>,
        %swap3A_94 = vector.shape_cast %swap3A_93 : vector<1x16xf32> to vector<16xf32>
        %swap3A_95 = vector.shape_cast %broadcast_in_dim3A_53 : vector<16xf32> to vector<1x16xf32>
        tpu.vector_store %arg15[%swap3A_91, %swap3A_92], %swap3A_95 {strides = array<i32>} : memref<128x64xf32, #tpu.memory_space<vmem>>, vector<1x16xf32>,
      }
      %while3A_75 = arith.constant 1 : i32
      scf.for %while3A_76 = %while3A_73 to %while3A_69 step %while3A_75  : i32 {
        %swap3A = arith.index_cast %while3A_76 : i32 to index
        %swap3A_77 = arith.constant 0 : index
        %swap3A_78 = tpu.vector_load %arg15[%swap3A, %swap3A_77] {strides = array<i32>} : memref<128x64xf32, #tpu.memory_space<vmem>>, vector<1x16xf32>,
        %swap3A_79 = vector.shape_cast %swap3A_78 : vector<1x16xf32> to vector<16xf32>
        %swap3A_80 = vector.shape_cast %broadcast_in_dim3A_53 : vector<16xf32> to vector<1x16xf32>
        tpu.vector_store %arg15[%swap3A, %swap3A_77], %swap3A_80 {strides = array<i32>} : memref<128x64xf32, #tpu.memory_space<vmem>>, vector<1x16xf32>,
        %swap3A_81 = arith.index_cast %while3A_76 : i32 to index
        %swap3A_82 = arith.constant 16 : index
        %swap3A_83 = tpu.vector_load %arg15[%swap3A_81, %swap3A_82] {strides = array<i32>} : memref<128x64xf32, #tpu.memory_space<vmem>>, vector<1x16xf32>,
        %swap3A_84 = vector.shape_cast %swap3A_83 : vector<1x16xf32> to vector<16xf32>
        %swap3A_85 = vector.shape_cast %broadcast_in_dim3A_53 : vector<16xf32> to vector<1x16xf32>
        tpu.vector_store %arg15[%swap3A_81, %swap3A_82], %swap3A_85 {strides = array<i32>} : memref<128x64xf32, #tpu.memory_space<vmem>>, vector<1x16xf32>,
        %swap3A_86 = arith.index_cast %while3A_76 : i32 to index
        %swap3A_87 = arith.constant 32 : index
        %swap3A_88 = tpu.vector_load %arg15[%swap3A_86, %swap3A_87] {strides = array<i32>} : memref<128x64xf32, #tpu.memory_space<vmem>>, vector<1x16xf32>,
        %swap3A_89 = vector.shape_cast %swap3A_88 : vector<1x16xf32> to vector<16xf32>
        %swap3A_90 = vector.shape_cast %broadcast_in_dim3A_53 : vector<16xf32> to vector<1x16xf32>
        tpu.vector_store %arg15[%swap3A_86, %swap3A_87], %swap3A_90 {strides = array<i32>} : memref<128x64xf32, #tpu.memory_space<vmem>>, vector<1x16xf32>,
        %swap3A_91 = arith.index_cast %while3A_76 : i32 to index
        %swap3A_92 = arith.constant 48 : index
        %swap3A_93 = tpu.vector_load %arg15[%swap3A_91, %swap3A_92] {strides = array<i32>} : memref<128x64xf32, #tpu.memory_space<vmem>>, vector<1x16xf32>,
        %swap3A_94 = vector.shape_cast %swap3A_93 : vector<1x16xf32> to vector<16xf32>
        %swap3A_95 = vector.shape_cast %broadcast_in_dim3A_53 : vector<16xf32> to vector<1x16xf32>
        tpu.vector_store %arg15[%swap3A_91, %swap3A_92], %swap3A_95 {strides = array<i32>} : memref<128x64xf32, #tpu.memory_space<vmem>>, vector<1x16xf32>,
      }
      "tpu.region"() ({
        %run_scoped3A = tpu.sem_alloc : memref<!tpu.dma_semaphore, #tpu.memory_space<semaphore_mem>>
        %dma_start3A_76 = arith.constant 0 : i32
        %dma_start3A_77 = tpu.memref_slice %arg7[%add3A_11, %dma_start3A_76] : memref<204800x64xf32, #tpu.memory_space<hbm>> -> memref<128x64xf32, #tpu.memory_space<hbm>>
        %dma_start3A_78 = arith.constant 0 : i32
        %dma_start3A_79 = tpu.memref_slice %arg7[%add3A_11, %dma_start3A_78] : memref<204800x64xf32, #tpu.memory_space<hbm>> -> memref<128x64xf32, #tpu.memory_space<hbm>>
        tpu.enqueue_dma source(%arg15 : memref<128x64xf32, #tpu.memory_space<vmem>>) target(%dma_start3A_79 : memref<128x64xf32, #tpu.memory_space<hbm>>) target_semaphore(%run_scoped3A : memref<!tpu.dma_semaphore, #tpu.memory_space<semaphore_mem>>)
        %dma_wait3A_80 = arith.constant 0 : i32
        %dma_wait3A_81 = tpu.memref_slice %arg7[%add3A_11, %dma_wait3A_80] : memref<204800x64xf32, #tpu.memory_space<hbm>> -> memref<128x64xf32, #tpu.memory_space<hbm>>
        %dma_wait3A_82 = arith.constant 0 : i32
        %dma_wait3A_83 = tpu.memref_slice %arg7[%add3A_11, %dma_wait3A_82] : memref<204800x64xf32, #tpu.memory_space<hbm>> -> memref<128x64xf32, #tpu.memory_space<hbm>>
        tpu.wait_dma2 semaphore(%run_scoped3A : memref<!tpu.dma_semaphore, #tpu.memory_space<semaphore_mem>>) src(%arg15 : memref<128x64xf32, #tpu.memory_space<vmem>>) dst(%dma_wait3A_83 : memref<128x64xf32, #tpu.memory_space<hbm>>)
        tpu.yield
      }) : () -> ()
    }
    %scan3A_5 = arith.constant 50 : i32
    return
  }
}

</mosaic_0001>

<sc_bundles>
// kernel: kernel.3.cloned.1.call-start
scs
__scs_entry_jumppad:
0x0: {  	(pc) =	sbr.rel $0x88, $3  }
0x1: {  	(tag) =	ssettag $0x0;
	lr =	simm.s32 $0x1  }
0x2: {  	[smem:$0x3F9C] =	sst lr;
	_ =	strace $0xD0000000  }
0x3: {  	_ = 	snop  }
0x4: {  	_ = 	snop  }
0x5: {  	_ = 	snop  }
0x6: {  	_ = 	snop  }
0x7: {  	_ = 	snop  }
__scs_overlays_trampoline_lowered:
0x8: {  	[smem:$0x3FAB] =	sst s0  }
0x9: {  	[smem:$0x3FAC] =	sst s1  }
0xa: {  	[smem:$0x3FAD] =	sst s2  }
0xb: {  	[smem:$0x3FAE] =	sst s3  }
0xc: {  	[smem:$0x3FAF] =	sst s4  }
0xd: {  	[smem:$0x3FB0] =	sst s5  }
0xe: {  	[smem:$0x3FB1] =	sst s6  }
0xf: {  	[smem:$0x3FB2] =	sst s7  }
0x10: {  	[smem:$0x3FB3] =	sst s8  }
0x11: {  	[smem:$0x3FB4] =	sst s9;
	s0 =	simm.s32 @!p0 $0x0  }
0x12: {  	s1 =	sld [smem:$0x3F9A];
	s0 =	simm.s32 @p0 $0x1  }
0x13: {  	[smem:$0x3FB5] =	sst s0;
	s0 =	simm.s32 @!p1 $0x0  }
0x14: {  	s2 =	sld [smem:$0x3F99];
	s0 =	simm.s32 @p1 $0x1  }
0x15: {  	[smem:$0x3FB6] =	sst s0;
	s0 =	simm.s32 @!p2 $0x0  }
0x16: {  	s3 =	sld [smem:$0x3FDB];
	s0 =	simm.s32 @p2 $0x1  }
0x17: {  	s4 =	simm.s32 $0x1BF5;
	[smem:$0x3FB8] =	sst s0  }
0x18: {  	s0 =	sld [smem:$0x3F9B];
	_ =	swait.ge [sflag:s4], $0x0  }
0x19: {  	s7 =	sld [smem:$0x3F9C]  }
0x1a: {  	s8 =	sadd.s32 $0xFFFFE003, lr  }
0x1b: {  	s9 =	sadd.s32 $0xFFFFFEF7, lr;
	s5 =	simm.s32 $0xFFFFFFFF;
	p2 =	slt.u32 s8, $0xFFFFF086  }
0x1c: {  	p1 =	slt.u32 s9, $0xF7A;
	s5 =	simm.s32 @!p2 $0x0  }
0x1d: {  	s5 =	simm.s32 @p1 $0x1;
	p0 =	seq.s32 s7, s2  }
0x1e: {  	s7 =	smul.u32 @!p0 $0xF7A, s2;
	p2 =	seq.s32 @!p0 s5, $0x0  }
0x1f: {  	s9 =	smul.u32 $0xF7A, s1;
	s8 =	simm.s32 @!p0 $0x1BF5;
	p2 =	por !p2, p0  }
0x20: {  	[sflag:s8] =	ssyncset.s32 @!p0 $0xFFFFF086;
	s6 =	sadd.s32 @!p0 s3, s7;
	s7 =	simm.s32 @!p0 $0x108  }
0x21: {  	s3 =	sadd.s32 s3, s9;
	s6 =	sadd.s32 @!p0 $0x88, s6;
	s7 =	simm.s32 @p2 $0x1082  }
0x22: {  	[simem:s7], [sflag:s8] =	dma.local @!p0 [hbm:s6], $0xF7A  }
0x23: {  	s9 =	sor.u32 $0xD0000000, s2;
	s6 =	simm.s32 $0x108;
	_ =	swait.ge @!p0 [sflag:s8], $0x0  }
0x24: {  	s3 =	sadd.s32 $0x88, s3;
	s6 =	simm.s32 @!p1 $0x1082;
	[sflag:s4] =	ssyncset.s32 $0xFFFFF086  }
0x25: {  	[simem:s6], [sflag:s4] =	dma.local [hbm:s3], $0xF7A  }
0x26: {  	[smem:$0x3F9C] =	sst s1;
	(tag) =	ssettag s2;
	_ =	strace s9  }
0x27: {  	s1 =	sld [smem:$0x3FAC]  }
0x28: {  	s2 =	sld [smem:$0x3FAD]  }
0x29: {  	s4 =	sld [smem:$0x3FAF]  }
0x2a: {  	p0 =	seq.s32 s5, $0x0;
	s5 =	sld [smem:$0x3FB0]  }
0x2b: {  	s6 =	sld [smem:$0x3FB1]  }
0x2c: {  	s7 =	sld [smem:$0x3FB2]  }
0x2d: {  	s3 =	simm.s32 $0x108;
	s8 =	sld [smem:$0x3FB3]  }
0x2e: {  	s3 =	simm.s32 @!p0 $0x1082;
	s9 =	sld [smem:$0x3FB4]  }
0x2f: {  	lr =	sadd.s32 s0, s3;
	s0 =	sld [smem:$0x3FAB]  }
0x30: {  	s3 =	sld [smem:$0x3FAE]  }
0x31: {  	[smem:$0x3FB7] =	sst s10  }
0x32: {  	s10 =	sld [smem:$0x3FB5];
	_ =	sdelay $0x3  }
0x33: {  	p0 =	seq.s32 s10, $0x1;
	s10 =	sld [smem:$0x3FB7];
	_ =	sdelay $0x3  }
0x34: {  	[smem:$0x3FB7] =	sst s10  }
0x35: {  	s10 =	sld [smem:$0x3FB6];
	_ =	sdelay $0x3  }
0x36: {  	p1 =	seq.s32 s10, $0x1;
	s10 =	sld [smem:$0x3FB7];
	_ =	sdelay $0x3  }
0x37: {  	[smem:$0x3FB7] =	sst s10  }
0x38: {  	s10 =	sld [smem:$0x3FB8]  }
0x39: {  	_ = 	snop;
	(pc) =	sbr.ind lr, $3  }
0x3a: {  	_ = 	snop  }
0x3b: {  	_ = 	snop  }
0x3c: {  	p2 =	seq.s32 s10, $0x1;
	s10 =	sld [smem:$0x3FB7]  }
0x3d: {  	_ =	shalt  }
0x3e: {  	_ =	shalt  }
0x3f: {  	_ =	shalt  }
0x40: {  	_ =	shalt  }
0x41: {  	_ =	shalt  }
0x42: {  	_ =	shalt  }
0x43: {  	_ =	shalt  }
0x44: {  	_ =	shalt  }
0x45: {  	_ =	shalt  }
0x46: {  	_ =	shalt  }
0x47: {  	_ =	shalt  }
0x48: {  	_ =	shalt  }
0x49: {  	_ =	shalt  }
0x4a: {  	_ =	shalt  }
0x4b: {  	_ =	shalt  }
0x4c: {  	_ =	shalt  }
0x4d: {  	_ =	shalt  }
0x4e: {  	_ =	shalt  }
0x4f: {  	_ =	shalt  }
0x50: {  	_ =	shalt  }
0x51: {  	_ =	shalt  }
0x52: {  	_ =	shalt  }
0x53: {  	_ =	shalt  }
0x54: {  	_ =	shalt  }
0x55: {  	_ =	shalt  }
0x56: {  	_ =	shalt  }
0x57: {  	_ =	shalt  }
0x58: {  	_ =	shalt  }
0x59: {  	_ =	shalt  }
0x5a: {  	_ =	shalt  }
0x5b: {  	_ =	shalt  }
0x5c: {  	_ =	shalt  }
0x5d: {  	_ =	shalt  }
0x5e: {  	_ =	shalt  }
0x5f: {  	_ =	shalt  }
0x60: {  	_ =	shalt  }
0x61: {  	_ =	shalt  }
0x62: {  	_ =	shalt  }
0x63: {  	_ =	shalt  }
0x64: {  	_ =	shalt  }
0x65: {  	_ =	shalt  }
0x66: {  	_ =	shalt  }
0x67: {  	_ =	shalt  }
0x68: {  	_ =	shalt  }
0x69: {  	_ =	shalt  }
0x6a: {  	_ =	shalt  }
0x6b: {  	_ =	shalt  }
0x6c: {  	_ =	shalt  }
0x6d: {  	_ =	shalt  }
0x6e: {  	_ =	shalt  }
0x6f: {  	_ =	shalt  }
0x70: {  	_ =	shalt  }
0x71: {  	_ =	shalt  }
0x72: {  	_ =	shalt  }
0x73: {  	_ =	shalt  }
0x74: {  	_ =	shalt  }
0x75: {  	_ =	shalt  }
0x76: {  	_ =	shalt  }
0x77: {  	_ =	shalt  }
0x78: {  	_ =	shalt  }
0x79: {  	_ =	shalt  }
0x7a: {  	_ =	shalt  }
0x7b: {  	_ =	shalt  }
0x7c: {  	_ =	shalt  }
0x7d: {  	_ =	shalt  }
0x7e: {  	_ =	shalt  }
0x7f: {  	_ =	shalt  }
0x80: {  	_ =	shalt  }
0x81: {  	_ =	shalt  }
0x82: {  	_ =	shalt  }
0x83: {  	_ =	shalt  }
0x84: {  	_ =	shalt  }
0x85: {  	_ =	shalt  }
0x86: {  	_ =	shalt  }
0x87: {  	_ =	shalt  }
.Lfunc_end0:
.L_simem_size_0:
called_computation.1_lowered:
.L_overlay_start_0:
0x88: {  	s2 =	sld [smem:$0x3FD9]  }
0x89: {  	s3 =	sld [smem:$0x3FFE];
	_ =	sdelay $0x1  }
0x8a: {  	s1 =	srdreg.scid  }
0x8b: {  	s0 =	sand.u32 $0x1, s1  }
0x8c: {  	s14 =	sshll.u32 s0, $0xA;
	s2 =	sadd.s32 s3, s2  }
0x8d: {  	s2 =	sadd.s32 s2, s14  }
0x8e: {  	[smem:$0x3FC3] =	sst s2  }
0x8f: {  	_ = 	snop  }
0x90: {  	s2 =	sld [smem:$0x3FD0];
	_ =	sdelay $0x2  }
0x91: {  	s4 =	simm.s32 $0xA;
	s5 =	simm.s32 $0x10;
	s15 =	sld [smem:$0x3FC7]  }
0x92: {  	[smem:s5], [sflag:s4] =	dma.local [hbm:s2], $0x1  }
0x93: {  	_ =	swait.eq [sflag:s4], $0x1  }
0x94: {  	[sflag:s4] =	ssyncset.done $0x0  }
0x95: {  	[sflag:s4] =	ssyncadd.s32 $0xFFFFFFFF  }
0x96: {  	s16 =	sld [smem:$0x10];
	(tm) =	ssettm $0x1  }
0x97: {  	s17 =	sld [smem:$0x3FFB];
	_ =	sdelay $0x3  }
0x98: {  	_ =	strace s17  }
0x99: {  	s4 =	sld [smem:$0x3FFC];
	_ =	sdelay $0x3  }
0x9a: {  	_ =	strace s4  }
0x9b: {  	s4 =	sld [smem:$0x3FFD];
	_ =	sdelay $0x3  }
0x9c: {  	_ =	strace s4  }
0x9d: {  	_ =	strace $0x8FFFFFFF  }
0x9e: {  	s18 =	sld [smem:$0x3FDB];
	_ =	sdelay $0x1  }
0x9f: {  	s19 =	simm.s32 $_scs_section_size  }
0xa0: {  	s6 =	simm.s32 $_size__tile_overlayer_lowered;
	s7 =	simm.s32 $_tile_overlayer_lowered  }
0xa1: {  	s22 =	simm.s32 $0x1BFF;
	s21 =	sshll.u32 s7, $0x1;
	s4 =	sadd.s32 s19, s18  }
0xa2: {  	s8 =	simm.s32 $0x0;
	s20 =	sshll.u32 s6, $0x1;
	s6 =	sadd.s32 s21, s4  }
0xa3: {  	[timem:s8], [sflag:s22] =	dma.local [hbm:s6], s20  }
0xa4: {  	_ =	swait.ge [sflag:s22], s20  }
0xa5: {  	s5 =	ssub.s32 $0x0, s20;
	[sflag:s22] =	ssyncset.done $0x0  }
0xa6: {  	[sflag:s22] =	ssyncadd.s32 s5;
	_ =	sdelay $0x1  }
0xa7: {  	s23 =	simm.s32 $0x1B8B  }
0xa8: {  	_ =	swait.ge [sflag:s23], $0x1  }
0xa9: {  	[sflag:s23] =	ssyncset.done $0x0  }
0xaa: {  	s25 =	simm.s32 $0x1B8E;
	s24 =	sld [smem:$0x3FFE];
	[sflag:s23] =	ssyncadd.s32 $0xFFFFFFFF  }
0xab: {  	s26 =	simm.s32 $execute0_lowered;
	[smem:$0x3FD2] =	sst s25  }
0xac: {  	s6 =	sshll.u32 s26, $0x1;
	_ =	strace $0x80000046;
	[dreg:$0x1] =	wrdreg $0xFFFFFFFF  }
0xad: {  	s28 =	simm.s32 $_size_execute0_lowered;
	s4 =	sadd.s32 s4, s6;
	[dreg:$0x0] =	wrdreg $0x0  }
0xae: {  	s6 =	sshll.u32 s28, $0x1;
	[dreg:$0x2] =	wrdreg s4  }
0xaf: {  	[dreg:$0x3] =	wrdreg s6  }
0xb0: {  	[dreg:$0x4] =	wrdreg $0xC0  }
0xb1: {  	_ =	task [dreg:s8], $0x5FFFF  }
0xb2: {  	[dreg:$0x1] =	wrdreg $0xFFFFFFFF  }
0xb3: {  	[dreg:$0x0] =	wrdreg $0x60  }
0xb4: {  	[dreg:$0x2] =	wrdreg s24  }
0xb5: {  	[dreg:$0x3] =	wrdreg s15  }
0xb6: {  	[dreg:$0x4] =	wrdreg s16  }
0xb7: {  	[dreg:$0x5] =	wrdreg $0x9  }
0xb8: {  	_ =	task.clear_ibuf [dreg:s8], $0x6FFFF;
	_ =	strace $0x90000046  }
0xb9: {  	s29 =	simm.s32 $0x9;
	_ =	strace $0x80000048  }
0xba: {  	_ =	swait.ge [sflag:s29], $0x1  }
0xbb: {  	[sflag:s29] =	ssyncadd.s32 $0xFFFFFFFF  }
0xbc: {  	_ =	strace $0x90000048  }
0xbd: {  	_ =	sfence  }
0xbe: {  	s30 =	sld [smem:$0x0];
	_ =	sdelay $0x2  }
0xbf: {  	s31 =	sshll.u32 s1, $0xD;
	s1 =	sshrl.u32 s1, $0x2  }
0xc0: {  	s3 =	sand.u32 $0x4000, s31;
	s1 =	sadd.s32 s1, s30  }
0xc1: {  	s0 =	sor.u32 s3, s0;
	s1 =	sshll.u32 s1, $0x11  }
0xc2: {  	s0 =	sor.u32 s1, s0  }
0xc3: {  	s0 =	sadd.s32 $0x8F2B, s0  }
0xc4: {  	[sflag:s0] =	ssyncadd.remote.s32 $0x1  }
0xc5: {  	_ =	sfence.sel $0xFFFF  }
0xc6: {  	[dreg:$0x0] =	wrdreg $0xFFFFFFFF;
	(pc) =	sbr.abs _section_cstart, $3  }
0xc7: {  	[dreg:$0x1] =	wrdreg $0xFFFFFFFF  }
0xc8: {  	_ =	task.clear_ibuf [dreg:s8], $0x2FFFF;
	_ =	strace $0x9FFFFFFF  }
0xc9: {  	(tm) =	ssettm $0x7FFFFFFF  }
tec
execute0_lowered:
.L_overlay_start_1:
0x0: {  	(tag) =	ssettag $0x1  }
0x1: {  	s0 =	rddreg [dreg:$0x0];
	s1 =	simm.s32 $0x0  }
0x2: {  	s28 =	srdreg.scid;
	s4 =	stileid.u32;
	s14 =	simm.s32 $0x3  }
0x3: {  	s15 =	simm.s32 $0x80;
	s17 =	simm.s32 $0x610;
	s18 =	simm.s32 $0x590  }
0x4: {  	s19 =	simm.s32 $0x2610;
	s20 =	simm.s32 $0x1;
	[smem:$0x7FF] =	sst s1  }
0x5: {  	s5 =	sadd.s32 $0x18FA00, s0;
	s1 =	sand.u32 $0x1, s28;
	s2 =	smul.u32 $0x3200, s4  }
0x6: {  	s6 =	sadd.s32 $0x189600, s0;
	s4 =	sshll.u32 s4, $0x1;
	s10 =	smul.u32 $0x1900, s1  }
0x7: {  	s29 =	ssub.s32 $0x2, s1;
	s30 =	sor.u32 s1, s4;
	s1 =	smul.u32 $0xFFFFE700, s1  }
0x8: {  	s7 =	sadd.s32 $0xC6000, s0;
	s8 =	sadd.s32 $0x2A00, s0;
	_ =	strace $0x80000047  }
.Ltmp0:
0x9: {  	s3 =	sshrl.u32 s29, $0x1;
	s1 =	ssub.s32 s1, s2;
	(pc) =	sbr.rel .LBB2_1-.Ltmp0, $4  }
0xa: {  	s0 =	ssub.s32 s29, s3;
	s31 =	sadd.s32 s10, s2;
	[dreg:$0x6] =	wrdreg s1  }
0xb: {  	s21 =	simm.s32 $0x2;
	s0 =	smax.u32 s0, $0x1;
	[dreg:$0x5] =	wrdreg s31  }
0xc: {  	s22 =	simm.s32 $0x4610;
	[dreg:$0x4] =	wrdreg s0;
	s0 =	ssub.s32 $0xC8, s31  }
0xd: {  	v0 =	vlaneseq.u32;
	v1 =	vimm.f32 $0.0e+00;
	s9 =	smul.u32 $0x1900, s30;
	s1 =	simm.s32 $0x0;
	[dreg:$0x7] =	wrdreg s0  }
.LBB2_15:
0xe: {  	s1 =	rddreg [dreg:$0x8]  }
0xf: {  	s0 =	rddreg [dreg:$0x4];
	s1 =	sadd.s32 $0x1, s1  }
0x10: {  	p0 =	sne.s32 s1, s0  }
.Ltmp1:
0x11: {  	_ = 	snop;
	(pc) =	sbr.rel @!p0 .LBB2_16-.Ltmp1, $1  }
0x12: {  	_ =	sdelay $0x3  }
.LBB2_1:
0x13: {  	s0 =	rddreg [dreg:$0x1];
	s31 =	simm.s32 $0x0  }
0x14: {  	[tilespmem:s31], [sflag:$0x3] =	stream.linear.gather [hbm4b:s0+s31], $0x400, $0x38;
	[tilespmem:$0x6610] =	vst v63  }
.Ltmp2:
0x15: {  	[dreg:$0x8] =	wrdreg s1;
	(pc) =	sbr.rel .LBB2_2-.Ltmp2, $4  }
0x16: {  	_ =	swait.ge [sflag:s14], $0x400  }
0x17: {  	s24 =	rddreg [dreg:$0x7]  }
0x18: {  	[sflag:s14] =	ssyncset.done $0x0;
	s25 =	rddreg [dreg:$0x5]  }
0x19: {  	s28 =	simm.s32 $0x0;
	s26 =	rddreg [dreg:$0x6];
	[sflag:s14] =	ssyncadd.s32 $0xFFFFFC00  }
.LBB2_13:
0x1a: {  	[tilespmem:s0+$0xFFFFFFF0] =	vst v1  }
.LBB2_14:
0x1b: {  	s28 =	sadd.s32 $0x1, s28  }
0x1c: {  	s0 =	sshll.u32 s29, $0x3;
	s1 =	rddreg [dreg:$0x2];
	p0 =	sne.s32 s28, $0x32  }
.Ltmp3:
0x1d: {  	s31 =	simm.s32 $0x0;
	s0 =	sadd.s32 s1, s0;
	(pc) =	sbr.rel @!p0 .LBB2_15-.Ltmp3, $4  }
0x1e: {  	[hbm4b:s0+s31] =	stream.linear.scatter [tilespmem:s22], [sflag:$0x3], $0x2000, $0x38;
	[tilespmem:$0x6610] =	vst v63  }
0x1f: {  	_ =	swait.ge [sflag:s14], $0x2000  }
0x20: {  	s26 =	sadd.s32 $0xFFFFFF80, s26;
	[sflag:s14] =	ssyncset.done $0x0  }
0x21: {  	s25 =	sadd.s32 $0x80, s25;
	s24 =	sadd.s32 $0xFFFFFF80, s24;
	[sflag:s14] =	ssyncadd.s32 $0xFFFFE000  }
.LBB2_2:
0x22: {  	s0 =	sshll.u32 s28, $0x7  }
0x23: {  	s29 =	sadd.s32 s9, s0  }
0x24: {  	s0 =	sshrl.u32 s29, $0x3  }
0x25: {  	s2 =	simm.s32 $0x0;
	s3 =	simm.s32 $0x410;
	s1 =	sadd.s32 s5, s0  }
0x26: {  	[tilespmem:s3], [sflag:$0x3] =	stream.linear.gather [hbm4b:s1+s2], $0x80, $0x38;
	[tilespmem:$0x6610] =	vst v63  }
0x27: {  	_ =	swait.ge [sflag:s14], $0x80  }
0x28: {  	[sflag:s14] =	ssyncset.done $0x0  }
0x29: {  	s12 =	simm.s32 $0x490;
	s0 =	sadd.s32 s6, s0;
	[sflag:s14] =	ssyncadd.s32 $0xFFFFFF80  }
0x2a: {  	[tilespmem:s12], [sflag:$0x3] =	stream.linear.gather [hbm4b:s0+s2], $0x80, $0x38;
	[tilespmem:$0x6610] =	vst v63  }
0x2b: {  	s13 =	smulhi.u32 $0x51EB851F, s29;
	s4 =	sor.u32 $0x78, s29;
	_ =	swait.ge [sflag:s14], $0x80  }
0x2c: {  	s4 =	smulhi.u32 $0x51EB851F, s4;
	[sflag:s14] =	ssyncset.done $0x0  }
0x2d: {  	s0 =	sshrl.u32 s13, $0x6;
	[sflag:s14] =	ssyncadd.s32 $0xFFFFFF80  }
0x2e: {  	s4 =	sshrl.u32 s4, $0x6;
	v2 =	vld [tilespmem:s0+$0x0]  }
0x2f: {  	v3 =	vld [tilespmem:s4+$0x0];
	_ =	sdelay $0x3  }
0x30: {  	(v2sf) =	vpush v2, $0x0  }
0x31: {  	(v2sf) =	vpush v3, $0x0;
	_ =	sdelay $0x9  }
0x32: {  	s0 =	smul.u32 $0xFFFFFF38, s0;
	_ =	sdelay $0x1  }
0x33: {  	s0 =	sadd.s32 s29, s0  }
0x34: {  	s30 =	ssub.s32 $0xC8, s0  }
0x35: {  	v5 =	vld [tilespmem:s12+$0x0];
	p0 =	slt.s32 s30, $0x80;
	s10 =	spop (v2sf)  }
0x36: {  	s30 =	simm.s32 @!p0 $0x80;
	s31 =	spop (v2sf)  }
0x37: {  	v6 =	vor.u32 s2, v0;
	v7 =	vld [tilespmem:s3+$0x0];
	v2 =	vmov s30;
	s1 =	ssub.s32 s10, s0;
	s0 =	sadd.s32 s30, s31  }
0x38: {  	vm0 =	vlt.s32 v6, v2;
	v3 =	vmov s1;
	v4 =	vmov s0  }
0x39: {  	s16 =	smulhi.u32 $0x51EB851F, s25;
	v8 =	vsel vm0, v3, v4  }
0x3a: {  	vm1 =	veq.s32 v5, $0x0;
	vm0 =	vlt.s32 v6, v8  }
0x3b: {  	s23 =	sshrl.u32 s16, $0x6;
	vm2 =	veq.s32 v5, $0x1;
	vm1 =	vmand vm0, vm1  }
0x3c: {  	s13 =	simm.s32 $0x510;
	s12 =	smul.u32 $0xC8, s23;
	vm0 =	vmand vm0, vm2;
	v5 =	vnsel vm1, $0x0, v7  }
0x3d: {  	s11 =	simm.s32 $0x590;
	[tilespmem:s13+$0x0] =	vst v5;
	v5 =	vnsel vm0, $0x0, v7  }
0x3e: {  	s23 =	simm.s32 $0x4A0;
	s4 =	sadd.s32 s12, s24;
	[tilespmem:s11+$0x0] =	vst v5  }
0x3f: {  	s16 =	simm.s32 $0x20;
	p0 =	slt.s32 s4, $0x80;
	v5 =	vld [tilespmem:s23+$0x0]  }
0x40: {  	s2 =	simm.s32 $0x10;
	s3 =	simm.s32 $0x420;
	s4 =	simm.s32 @!p0 $0x80  }
.LBB2_3:
0x41: {  	p0 =	sne.s32 s16, $0x70;
	v6 =	vor.u32 s2, v0;
	v7 =	vld [tilespmem:s3+$0x0];
	s2 =	smov.u32 s16  }
0x42: {  	vm0 =	vlt.s32 v6, v2  }
0x43: {  	v8 =	vsel vm0, v3, v4  }
0x44: {  	vm0 =	vlt.s32 v6, v8;
	vm1 =	veq.s32 v5, $0x0;
	vm2 =	veq.s32 v5, $0x1  }
0x45: {  	vm1 =	vmand vm0, vm1  }
.Ltmp4:
0x46: {  	s13 =	sadd.s32 $0x10, s13;
	vm0 =	vmand vm0, vm2;
	v5 =	vnsel vm1, $0x0, v7;
	(pc) =	sbr.rel @p0 .LBB2_3-.Ltmp4, $4  }
0x47: {  	s11 =	sadd.s32 $0x10, s11;
	[tilespmem:s13+$0x0] =	vst v5;
	v5 =	vnsel vm0, $0x0, v7  }
0x48: {  	s23 =	sadd.s32 $0x10, s23;
	[tilespmem:s11+$0x0] =	vst v5  }
0x49: {  	v5 =	vld [tilespmem:s23+$0x0]  }
0x4a: {  	s16 =	sadd.s32 $0x10, s16;
	s3 =	sadd.s32 $0x10, s3  }
0x4b: {  	v6 =	vor.u32 s2, v0;
	v7 =	vld [tilespmem:s3+$0x0]  }
0x4c: {  	vm0 =	vlt.s32 v6, v2  }
0x4d: {  	v2 =	vsel vm0, v3, v4  }
0x4e: {  	vm0 =	vlt.s32 v6, v2;
	vm1 =	veq.s32 v5, $0x0  }
0x4f: {  	vm2 =	veq.s32 v5, $0x1;
	vm1 =	vmand vm0, vm1  }
0x50: {  	s13 =	sadd.s32 $0x10, s13;
	vm0 =	vmand vm0, vm2;
	v2 =	vnsel vm1, $0x0, v7  }
0x51: {  	s16 =	sadd.s32 $0x10, s11;
	[tilespmem:s13+$0x0] =	vst v2;
	v2 =	vnsel vm0, $0x0, v7  }
0x52: {  	s23 =	simm.s32 $0x510;
	[tilespmem:s16+$0x0] =	vst v2  }
0x53: {  	[tilespmem:s17], [sflag:$0x1] =	stream.indirect.gather [hbm4b:s7+s15], $0x40, s23, s15, $0xb8;
	[tilespmem:$0x6610] =	vst v63  }
0x54: {  	_ = 	snop  }
0x55: {  	[tilespmem:s19], [sflag:$0x2] =	stream.indirect.gather [hbm4b:s8+s15], $0x40, s18, s15, $0xb8;
	[tilespmem:$0x6610] =	vst v63  }
0x56: {  	_ =	swait.ge [sflag:s20], $0x2000  }
0x57: {  	[sflag:s20] =	ssyncset.done $0x0  }
0x58: {  	[sflag:s20] =	ssyncadd.s32 $0xFFFFE000  }
0x59: {  	_ =	swait.ge [sflag:s21], $0x2000  }
0x5a: {  	[sflag:s21] =	ssyncset.done $0x0  }
0x5b: {  	s13 =	simm.s32 $0x0;
	[sflag:s21] =	ssyncadd.s32 $0xFFFFE000  }
0x5c: {  	v4 =	vld [tilespmem:s13+$0x640]  }
0x5d: {  	v6 =	vld [tilespmem:s13+$0x2640]  }
0x5e: {  	v7 =	vld [tilespmem:s13+$0x610]  }
0x5f: {  	v8 =	vld [tilespmem:s13+$0x2610]  }
0x60: {  	v3 =	vld [tilespmem:s13+$0x620]  }
0x61: {  	v5 =	vld [tilespmem:s13+$0x2620]  }
0x62: {  	v2 =	vld [tilespmem:s13+$0x630];
	v9 =	vadd.f32 v6, v4  }
0x63: {  	s11 =	simm.s32 $0x40;
	v6 =	vld [tilespmem:s13+$0x2630]  }
0x64: {  	s2 =	simm.s32 $0x200;
	v4 =	vld [tilespmem:s11+$0x640];
	v7 =	vadd.f32 v8, v7;
	[tilespmem:s13+$0x4640] =	vst v9  }
.LBB2_5:
0x65: {  	p0 =	sne.s32 s2, $0x7F00;
	v8 =	vld [tilespmem:s11+$0x2640]  }
0x66: {  	v9 =	vld [tilespmem:s11+$0x610];
	[tilespmem:s13+$0x4610] =	vst v7;
	v5 =	vadd.f32 v5, v3  }
0x67: {  	v7 =	vld [tilespmem:s11+$0x2610]  }
.Ltmp5:
0x68: {  	v3 =	vld [tilespmem:s11+$0x620];
	[tilespmem:s13+$0x4620] =	vst v5;
	v6 =	vadd.f32 v6, v2;
	(pc) =	sbr.rel @p0 .LBB2_5-.Ltmp5, $4  }
0x69: {  	v5 =	vld [tilespmem:s11+$0x2620]  }
0x6a: {  	v2 =	vld [tilespmem:s11+$0x630];
	v8 =	vadd.f32 v8, v4;
	[tilespmem:s13+$0x4630] =	vst v6;
	s13 =	smov.u32 s11  }
0x6b: {  	s11 =	sshra.s32 s2, $0x2;
	v6 =	vld [tilespmem:s13+$0x2630]  }
0x6c: {  	s2 =	sadd.s32 $0x100, s2;
	v4 =	vld [tilespmem:s11+$0x640];
	v7 =	vadd.f32 v7, v9;
	[tilespmem:s13+$0x4640] =	vst v8  }
0x6d: {  	v8 =	vld [tilespmem:s11+$0x2640]  }
0x6e: {  	v9 =	vld [tilespmem:s11+$0x610];
	[tilespmem:s13+$0x4610] =	vst v7;
	v3 =	vadd.f32 v5, v3  }
0x6f: {  	v62 =	vld [tilespmem:s11+$0x2610]  }
0x70: {  	v7 =	vld [tilespmem:s11+$0x620];
	[tilespmem:s13+$0x4620] =	vst v3;
	v2 =	vadd.f32 v6, v2  }
0x71: {  	v3 =	vld [tilespmem:s11+$0x2620]  }
0x72: {  	v63 =	vld [tilespmem:s11+$0x630];
	[tilespmem:s13+$0x4630] =	vst v2  }
0x73: {  	p0 =	sgt.s32 s1, $0x0;
	v2 =	vld [tilespmem:s11+$0x2630]  }
0x74: {  	s1 =	simm.s32 @!p0 $0x0  }
0x75: {  	p0 =	sge.s32 s1, s30;
	v4 =	vadd.f32 v8, v4  }
.Ltmp6:
0x76: {  	v5 =	vadd.f32 v62, v9;
	(pc) =	sbr.rel @p0 .LBB2_10-.Ltmp6, $4  }
0x77: {  	[tilespmem:s11+$0x4640] =	vst v4;
	v3 =	vadd.f32 v3, v7  }
0x78: {  	[tilespmem:s11+$0x4610] =	vst v5;
	v2 =	vadd.f32 v2, v63  }
0x79: {  	[tilespmem:s11+$0x4620] =	vst v3  }
0x7a: {  	[tilespmem:s11+$0x4630] =	vst v2  }
0x7b: {  	s2 =	sadd.s32 s26, s10  }
0x7c: {  	s2 =	sadd.s32 s12, s2  }
0x7d: {  	p0 =	sgt.s32 s2, $0x0  }
0x7e: {  	s1 =	sadd.s32 $0x1, s1;
	s2 =	simm.s32 @!p0 $0x0  }
0x7f: {  	p0 =	slt.s32 s1, s30;
	s2 =	sshll.u32 s2, $0x8  }
.Ltmp7:
0x80: {  	s2 =	sshra.s32 s2, $0x2;
	(pc) =	sbr.rel @!p0 .LBB2_9-.Ltmp7, $4  }
0x81: {  	s2 =	sadd.s32 $0x4630, s2  }
0x82: {  	[tilespmem:s2+$0xFFFFFFE0] =	vst v1  }
0x83: {  	[tilespmem:s2+$0x10] =	vst v1  }
0x84: {  	[tilespmem:s2+$0x0] =	vst v1  }
.LBB2_8:
0x85: {  	s1 =	sadd.s32 $0x1, s1  }
0x86: {  	[tilespmem:s2+$0xFFFFFFF0] =	vst v1;
	s2 =	sadd.s32 $0x40, s2;
	p0 =	slt.s32 s1, s30  }
.Ltmp8:
0x87: {  	[tilespmem:s2+$0xFFFFFFE0] =	vst v1;
	(pc) =	sbr.rel @p0 .LBB2_8-.Ltmp8, $3  }
0x88: {  	_ =	sdelay $0x1  }
0x89: {  	[tilespmem:s2+$0x10] =	vst v1  }
0x8a: {  	[tilespmem:s2+$0x0] =	vst v1  }
.LBB2_9:
0x8b: {  	[tilespmem:s2+$0xFFFFFFF0] =	vst v1  }
.LBB2_10:
0x8c: {  	p0 =	sgt.s32 s30, s0  }
0x8d: {  	s0 =	smov.u32 @p0 s30  }
0x8e: {  	p0 =	sgt.s32 s0, $0x7F  }
.Ltmp9:
0x8f: {  	_ = 	snop;
	(pc) =	sbr.rel @p0 .LBB2_14-.Ltmp9, $1  }
0x90: {  	_ =	sdelay $0x3  }
0x91: {  	s0 =	sadd.s32 s4, s31  }
0x92: {  	p0 =	sgt.s32 s4, s0  }
0x93: {  	s0 =	smov.u32 @p0 s4  }
0x94: {  	s1 =	sshll.u32 s0, $0x8  }
0x95: {  	s2 =	sadd.s32 $0xFFFFFFFF, s0;
	s1 =	sshra.s32 s1, $0x2  }
0x96: {  	s0 =	sadd.s32 $0x4630, s1;
	s1 =	sadd.s32 $0x1, s2  }
0x97: {  	p0 =	slt.s32 s1, $0x7F  }
.Ltmp10:
0x98: {  	_ = 	snop;
	(pc) =	sbr.rel @!p0 .LBB2_13-.Ltmp10, $4  }
0x99: {  	_ = 	snop  }
0x9a: {  	[tilespmem:s0+$0xFFFFFFE0] =	vst v1  }
0x9b: {  	[tilespmem:s0+$0x10] =	vst v1  }
0x9c: {  	[tilespmem:s0+$0x0] =	vst v1  }
.LBB2_12:
0x9d: {  	s1 =	sadd.s32 $0x1, s1  }
0x9e: {  	[tilespmem:s0+$0xFFFFFFF0] =	vst v1;
	s0 =	sadd.s32 $0x40, s0;
	p0 =	slt.s32 s1, $0x7F  }
.Ltmp11:
0x9f: {  	[tilespmem:s0+$0xFFFFFFE0] =	vst v1;
	(pc) =	sbr.rel @p0 .LBB2_12-.Ltmp11, $3  }
0xa0: {  	_ =	sdelay $0x1  }
0xa1: {  	[tilespmem:s0+$0x10] =	vst v1  }
0xa2: {  	[tilespmem:s0+$0x0] =	vst v1  }
.Ltmp12:
0xa3: {  	_ = 	snop;
	(pc) =	sbr.rel .LBB2_13-.Ltmp12, $1  }
0xa4: {  	_ =	sdelay $0x3  }
.LBB2_16:
0xa5: {  	_ =	sfence.sel $0x180000  }
0xa6: {  	[bflag:$0x0] =	sbarrier.arrive $0xFFFF  }
0xa7: {  	_ =	strace $0x90000047  }
0xa8: {  	s0 =	stileid.u32;
	[bflag:$0x2] =	sbarrier.arrive $0xFFFF  }
0xa9: {  	p0 =	sne.s32 s0, $0x0;
	s0 =	rddreg [dreg:$0x3]  }
0xaa: {  	s0 =	sadd.s32 @!p0 $0x100000, s0  }
0xab: {  	[sflag:s0] =	ssyncadd.tile.s32 @!p0 $0x1;
	_ =	shalt  }
.Lfunc_end2:
_tile_overlayer_lowered:
.L_overlay_start_2:
0xac: {  	(tag) =	ssettag $0x2  }
0xad: {  	s0 =	rddreg [dreg:$0x0];
	s2 =	stileid.u32  }
0xae: {  	s1 =	rddreg [dreg:$0x1];
	p0 =	sne.s32 s2, $0x0  }
0xaf: {  	s3 =	rddreg [dreg:$0x2];
	[bflag:$0x3] =	sbarrier.arrive $0xFFFF;
	s2 =	simm.s32 @!p0 $0x1C03  }
0xb0: {  	[timem:s3], [sflag:s2] =	dma.local @!p0 [hbm:s0], s1  }
0xb1: {  	s0 =	simm.s32 @!p0 $0x3  }
0xb2: {  	_ =	swait.ge @!p0 [sflag:s0], s1  }
0xb3: {  	s1 =	ssub.s32 @!p0 $0x0, s1;
	[sflag:s0] =	ssyncset.done @!p0 $0x0  }
0xb4: {  	[sflag:s0] =	ssyncadd.s32 @!p0 s1  }
0xb5: {  	[bflag:$0x3] =	sbarrier.arrive $0xFFFF  }
0xb6: {  	_ =	shalt  }

// kernel: sparse-core-data-format-call.cloned.1.call-start
scs
called_computation_lowered:
.L_overlay_start_0:
0x0: {  	s2 =	sld [smem:$0x3FD9]  }
0x1: {  	s3 =	sld [smem:$0x3FFE];
	_ =	sdelay $0x1  }
0x2: {  	s1 =	srdreg.scid  }
0x3: {  	s0 =	sand.u32 $0x1, s1  }
0x4: {  	s15 =	sshll.u32 s0, $0xA;
	s2 =	sadd.s32 s3, s2  }
0x5: {  	s2 =	sadd.s32 s2, s15  }
0x6: {  	[smem:$0x3FC3] =	sst s2  }
0x7: {  	_ = 	snop  }
0x8: {  	s2 =	sld [smem:$0x3FD0];
	_ =	sdelay $0x2  }
0x9: {  	s16 =	simm.s32 $0xA;
	s4 =	simm.s32 $0x10  }
0xa: {  	[smem:s4], [sflag:s16] =	dma.local [hbm:s2], $0x1  }
0xb: {  	_ =	swait.eq [sflag:s16], $0x1  }
0xc: {  	[sflag:s16] =	ssyncset.done $0x0  }
0xd: {  	[sflag:s16] =	ssyncadd.s32 $0xFFFFFFFF  }
0xe: {  	s17 =	sld [smem:$0x10];
	(tm) =	ssettm $0x1  }
0xf: {  	s18 =	sld [smem:$0x3FFB];
	_ =	sdelay $0x3  }
0x10: {  	_ =	strace s18  }
0x11: {  	s3 =	sld [smem:$0x3FFC];
	_ =	sdelay $0x3  }
0x12: {  	_ =	strace s3  }
0x13: {  	s3 =	sld [smem:$0x3FFD];
	_ =	sdelay $0x3  }
0x14: {  	_ =	strace s3  }
0x15: {  	_ =	strace $0x8FFFFFFF  }
0x16: {  	s19 =	sld [smem:$0x3FDB];
	_ =	sdelay $0x1  }
0x17: {  	s20 =	simm.s32 $_scs_section_size  }
0x18: {  	s5 =	simm.s32 $_size__tile_overlayer_lowered;
	s6 =	simm.s32 $_tile_overlayer_lowered  }
0x19: {  	s23 =	simm.s32 $0x1BFF;
	s22 =	sshll.u32 s6, $0x1;
	s3 =	sadd.s32 s20, s19  }
0x1a: {  	s7 =	simm.s32 $0x0;
	s21 =	sshll.u32 s5, $0x1;
	s5 =	sadd.s32 s22, s3  }
0x1b: {  	[timem:s7], [sflag:s23] =	dma.local [hbm:s5], s21  }
0x1c: {  	_ =	swait.ge [sflag:s23], s21  }
0x1d: {  	s4 =	ssub.s32 $0x0, s21;
	[sflag:s23] =	ssyncset.done $0x0  }
0x1e: {  	[sflag:s23] =	ssyncadd.s32 s4;
	_ =	sdelay $0x1  }
0x1f: {  	s24 =	simm.s32 $0x1B8B  }
0x20: {  	_ =	swait.ge [sflag:s24], $0x1  }
0x21: {  	[sflag:s24] =	ssyncset.done $0x0  }
0x22: {  	s26 =	simm.s32 $0x1B8E;
	s25 =	sld [smem:$0x3FFE];
	[sflag:s24] =	ssyncadd.s32 $0xFFFFFFFF  }
0x23: {  	s27 =	simm.s32 $execute0_lowered;
	[smem:$0x3FD2] =	sst s26  }
0x24: {  	s5 =	sshll.u32 s27, $0x1;
	_ =	strace $0x80000049;
	[dreg:$0x1] =	wrdreg $0xFFFFFFFF  }
0x25: {  	s28 =	simm.s32 $_size_execute0_lowered;
	s3 =	sadd.s32 s3, s5;
	[dreg:$0x0] =	wrdreg $0x0  }
0x26: {  	s5 =	sshll.u32 s28, $0x1;
	[dreg:$0x2] =	wrdreg s3  }
0x27: {  	[dreg:$0x3] =	wrdreg s5  }
0x28: {  	[dreg:$0x4] =	wrdreg $0xC0  }
0x29: {  	_ =	task [dreg:s7], $0x5FFFF  }
0x2a: {  	[dreg:$0x1] =	wrdreg $0xFFFFFFFF  }
0x2b: {  	[dreg:$0x0] =	wrdreg $0x60  }
0x2c: {  	[dreg:$0x2] =	wrdreg s25  }
0x2d: {  	[dreg:$0x3] =	wrdreg s17  }
0x2e: {  	[dreg:$0x4] =	wrdreg $0x9  }
0x2f: {  	_ =	task.clear_ibuf [dreg:s7], $0x5FFFF;
	_ =	strace $0x90000049  }
0x30: {  	s29 =	simm.s32 $0x9;
	_ =	strace $0x8000004B  }
0x31: {  	_ =	swait.ge [sflag:s29], $0x1  }
0x32: {  	[sflag:s29] =	ssyncadd.s32 $0xFFFFFFFF  }
0x33: {  	_ =	strace $0x9000004B  }
0x34: {  	_ =	sfence  }
0x35: {  	s30 =	sld [smem:$0x0];
	_ =	sdelay $0x2  }
0x36: {  	s31 =	sshll.u32 s1, $0xD;
	s1 =	sshrl.u32 s1, $0x2  }
0x37: {  	s3 =	sand.u32 $0x4000, s31;
	s1 =	sadd.s32 s1, s30  }
0x38: {  	s0 =	sor.u32 s3, s0;
	s1 =	sshll.u32 s1, $0x11  }
0x39: {  	s0 =	sor.u32 s1, s0  }
0x3a: {  	s0 =	sadd.s32 $0x8F2B, s0  }
0x3b: {  	[sflag:s0] =	ssyncadd.remote.s32 $0x1  }
0x3c: {  	_ =	sfence.sel $0xFFFF  }
0x3d: {  	[dreg:$0x0] =	wrdreg $0xFFFFFFFF;
	(pc) =	sbr.abs _section_cstart, $3  }
0x3e: {  	[dreg:$0x1] =	wrdreg $0xFFFFFFFF  }
0x3f: {  	_ =	task.clear_ibuf [dreg:s7], $0x2FFFF;
	_ =	strace $0x9FFFFFFF  }
0x40: {  	(tm) =	ssettm $0x7FFFFFFF  }
0x41: {  	_ =	shalt  }
tec
execute0_lowered:
.L_overlay_start_1:
0x0: {  	(tag) =	ssettag $0x1  }
0x1: {  	s0 =	stileid.u32;
	s6 =	rddreg [dreg:$0x0]  }
0x2: {  	s2 =	rddreg [dreg:$0x1];
	s5 =	srdreg.scid  }
0x3: {  	s31 =	simm.s32 $0x2;
	s13 =	simm.s32 $0x0;
	s1 =	sshll.u32 s0, $0x7  }
0x4: {  	s14 =	simm.s32 $0x0;
	s12 =	simm.s32 $0x0;
	s3 =	sand.u32 $0x380, s1  }
0x5: {  	s5 =	sshll.u32 s5, $0x4;
	s6 =	sadd.s32 $0x2A00, s6;
	s4 =	ssub.s32 $0x400, s3  }
0x6: {  	s1 =	rddreg [dreg:$0x2];
	_ =	strace $0x8000004A;
	s7 =	sand.u32 $0x380, s4  }
0x7: {  	s5 =	sand.u32 $0x10, s5;
	p0 =	sne.s32 s7, $0x0;
	s7 =	simm.s32 $0x1  }
.Ltmp0:
0x8: {  	s8 =	sshrl.u32 s4, $0xA;
	s7 =	simm.s32 @!p0 $0x0;
	(pc) =	sbr.rel .LBB1_1-.Ltmp0, $4  }
0x9: {  	s9 =	sor.u32 s0, s5;
	s4 =	simm.s32 $0x1;
	s30 =	sadd.s32 s7, s8  }
0xa: {  	s11 =	smov.u32 s3;
	[sflag:s4] =	ssyncpa.u1 $0x0;
	s5 =	smul.u32 $0x32, s30  }
0xb: {  	[sflag:s31] =	ssyncpa.u1 $0x0;
	p0 =	por $0x0, $0x0;
	s7 =	sshrl.u32 s9, $0x3  }
0xc: {  	s9 =	simm.s32 $0x2000;
	s10 =	smov.u32 s7;
	s8 =	sor.u32 $0x1, s5  }
.LBB1_4:
0xd: {  	s17 =	sand.u32 $0x1F80, s14;
	s13 =	sshll.u32 s13, $0xD  }
0xe: {  	[tilespmem:s16+$0x810 ss:$0x81] =	vst.msk $0xffff, v2;
	s18 =	sshrl.u32 s14, $0x3;
	s31 =	sand.u32 $0x7, s14;
	s17 =	sadd.s32 s2, s17  }
0xf: {  	[tilespmem:s16+$0x1020 ss:$0x81] =	vst.msk $0xffff, v0;
	s18 =	sand.u32 $0xF, s18;
	s14 =	sshll.u32 s31, $0x12;
	s13 =	sadd.s32 s13, s17  }
0x10: {  	[tilespmem:s16+$0x0 ss:$0x81] =	vst.msk $0xffff, v1;
	s14 =	sor.u32 $0x400, s14;
	s13 =	sadd.s32 s18, s13  }
0x11: {  	[hbm4b:s13+s14] =	stream.strided.scatter [tilespmem:s15], [sflag:$0x2], $0x2000, s9, s14, $0x20;
	[tilespmem:$0x8080] =	vst v63  }
.LBB1_5:
0x12: {  	s15 =	sadd.s32 $0x4, s10  }
0x13: {  	s13 =	sadd.s32 $0x400, s11;
	s17 =	smov.u32 s11;
	p2 =	sgt.s32 s15, $0xC7  }
0x14: {  	s17 =	smov.u32 @p2 s13  }
0x15: {  	s15 =	smov.u32 @p2 s7;
	p2 =	sgt.s32 s17, $0x3FF  }
0x16: {  	s17 =	smov.u32 @p2 s3;
	p2 =	sne.s32 s12, s8  }
.Ltmp1:
0x17: {  	p1 =	slt.u32 s12, $0x2;
	(pc) =	sbr.rel @!p2 .LBB1_6-.Ltmp1, $4  }
0x18: {  	s16 =	simm.s32 @!p1 $0x2  }
0x19: {  	s14 =	smov.u32 s11;
	p0 =	por !p0, !p0;
	_ =	swait.ge @!p1 [sflag:s16], $0x2000  }
0x1a: {  	s13 =	smov.u32 s10;
	[sflag:s16] =	ssyncset.done @!p1 $0x0;
	s10 =	smov.u32 s15  }
0x1b: {  	s12 =	sadd.s32 $0x1, s12;
	[sflag:s16] =	ssyncadd.s32 @!p1 $0xFFFFE000;
	s11 =	smov.u32 s17  }
.LBB1_1:
0x1c: {  	p1 =	sge.u32 s12, s5  }
0x1d: {  	s15 =	sand.u32 @!p1 $0x1FFFFFF, s10  }
0x1e: {  	s16 =	smulhi.u32 @!p1 $0x147AE15, s15;
	_ =	sdelay $0x1  }
0x1f: {  	s16 =	smul.u32 @!p1 $0xC8, s16  }
0x20: {  	s17 =	sxor.u32 @!p1 $0xFFFFFFFF, s12;
	s18 =	smul.u32 @!p1 $0xC80, s11  }
0x21: {  	s31 =	sadd.s32 $0xFFFFFFFF, s12;
	s17 =	sshll.u32 @!p1 s17, $0xD;
	s15 =	ssub.s32 @!p1 s15, s16  }
0x22: {  	s16 =	sand.u32 @!p1 $0x2000, s17;
	s17 =	sadd.s32 @!p1 s6, s18;
	s15 =	sshll.u32 @!p1 s15, $0x4  }
0x23: {  	s18 =	simm.s32 @!p1 $0x6400;
	s15 =	sadd.s32 @!p1 s15, s17;
	s17 =	simm.s32 @!p1 $0x40  }
0x24: {  	[tilespmem:s16], [sflag:$0x1] =	stream.strided.gather @!p1 [hbm4b:s15+s17], $0x2000, s18, s17, $0x38;
	[tilespmem:$0x8080] =	vst v63  }
0x25: {  	p1 =	sge.u32 s31, s5  }
.Ltmp2:
0x26: {  	_ = 	snop;
	(pc) =	sbr.rel @p1 .LBB1_5-.Ltmp2, $1  }
0x27: {  	_ =	sdelay $0x3  }
0x28: {  	s15 =	simm.s32 $0x1  }
0x29: {  	_ =	swait.ge [sflag:s4], $0x2000;
	s15 =	simm.s32 @!p0 $0x0  }
0x2a: {  	[sflag:s4] =	ssyncset.done $0x0;
	s16 =	sshll.u32 s15, $0xD  }
0x2b: {  	[sflag:s4] =	ssyncadd.s32 $0xFFFFE000;
	s19 =	sor.u32 $0x20, s16  }
0x2c: {  	s15 =	smul.u32 $0x8100, s15;
	v3 =	vld [tilespmem:s19+$0x10]  }
0x2d: {  	s30 =	sand.u32 $0x1, s12;
	v2 =	vld [tilespmem:s19+$0xFFFFFFF0]  }
0x2e: {  	s16 =	smul.u32 $0x8100, s30;
	s15 =	sshrl.u32 s15, $0x2;
	v0 =	vld [tilespmem:s19+$0x0]  }
0x2f: {  	v1 =	vld [tilespmem:s19+$0xFFFFFFE0];
	s17 =	sor.u32 $0x4000, s15  }
0x30: {  	s31 =	sshrl.u32 s16, $0x2;
	s16 =	sadd.s32 $0x0, s17  }
0x31: {  	s18 =	simm.s32 $0x4;
	s19 =	sadd.s32 $0x40, s19;
	s15 =	sor.u32 $0x4000, s31;
	[tilespmem:s16+$0x1830 ss:$0x81] =	vst.msk $0xffff, v3  }
.LBB1_3:
0x32: {  	v3 =	vld [tilespmem:s19+$0x10];
	p1 =	sne.s32 s18, $0x1FC;
	[tilespmem:s16+$0x810 ss:$0x81] =	vst.msk $0xffff, v2;
	s20 =	smov.u32 s18;
	s18 =	sadd.s32 $0x4, s18  }
.Ltmp3:
0x33: {  	v2 =	vld [tilespmem:s19+$0xFFFFFFF0];
	[tilespmem:s16+$0x1020 ss:$0x81] =	vst.msk $0xffff, v0;
	(pc) =	sbr.rel @p1 .LBB1_3-.Ltmp3, $4  }
0x34: {  	v0 =	vld [tilespmem:s19+$0x0];
	[tilespmem:s16+$0x0 ss:$0x81] =	vst.msk $0xffff, v1  }
0x35: {  	s16 =	sshra.s32 s20, $0x2;
	v1 =	vld [tilespmem:s19+$0xFFFFFFE0]  }
0x36: {  	s16 =	sadd.s32 s16, s17  }
0x37: {  	s19 =	sadd.s32 $0x40, s19;
	[tilespmem:s16+$0x1830 ss:$0x81] =	vst.msk $0xffff, v3  }
.Ltmp4:
0x38: {  	_ = 	snop;
	(pc) =	sbr.rel .LBB1_4-.Ltmp4, $1  }
0x39: {  	_ =	sdelay $0x3  }
.LBB1_6:
0x3a: {  	_ =	sfence.sel $0x180000  }
0x3b: {  	s2 =	simm.s32 $0x1;
	[bflag:$0x0] =	sbarrier.arrive $0xFFFF  }
0x3c: {  	s31 =	simm.s32 $0x2;
	[sflag:s2] =	ssyncpa.u1 $0x1  }
0x3d: {  	[sflag:s31] =	ssyncpa.u1 $0x1  }
0x3e: {  	p0 =	sne.s32 s0, $0x0;
	_ =	strace $0x9000004A  }
0x3f: {  	s0 =	sadd.s32 @!p0 $0x100000, s1;
	[bflag:$0x2] =	sbarrier.arrive $0xFFFF  }
0x40: {  	[sflag:s0] =	ssyncadd.tile.s32 @!p0 $0x1;
	_ =	shalt  }
.Lfunc_end1:
_tile_overlayer_lowered:
.L_overlay_start_2:
0x41: {  	(tag) =	ssettag $0x2  }
0x42: {  	s0 =	rddreg [dreg:$0x0];
	s2 =	stileid.u32  }
0x43: {  	s1 =	rddreg [dreg:$0x1];
	p0 =	sne.s32 s2, $0x0  }
0x44: {  	s3 =	rddreg [dreg:$0x2];
	[bflag:$0x3] =	sbarrier.arrive $0xFFFF;
	s2 =	simm.s32 @!p0 $0x1C01  }
0x45: {  	[timem:s3], [sflag:s2] =	dma.local @!p0 [hbm:s0], s1  }
0x46: {  	s0 =	simm.s32 @!p0 $0x1  }
0x47: {  	_ =	swait.ge @!p0 [sflag:s0], s1  }
0x48: {  	s1 =	ssub.s32 @!p0 $0x0, s1;
	[sflag:s0] =	ssyncset.done @!p0 $0x0  }
0x49: {  	[sflag:s0] =	ssyncadd.s32 @!p0 s1  }
0x4a: {  	[bflag:$0x3] =	sbarrier.arrive $0xFFFF  }
0x4b: {  	_ =	shalt  }

</sc_bundles>
